<compile_context>
chip_gen: v7x
topology: tpu7x:2x2x1
jax: 0.10.2.dev20260603
libtpu: 0.0.44.dev20260713+nightly
codegen_flags: <defaults>
</compile_context>

<pallas_src>
import jax
import jax.numpy as jnp
import numpy as np
from jax import lax
from jax.experimental import pallas as pl
from jax.experimental.pallas import tpu as pltpu
from jax.experimental.pallas import tpu_sc as plsc

DIM = 1024
GRID = 16
XMIN = -3.5
XMAX = 3.5
N_ROWS = 32768

LANES = 16
NUM_WORKERS = 32
TOTAL = N_ROWS * DIM
PER_W = TOTAL // NUM_WORKERS
CHUNK = 16 * DIM
NCHUNK = PER_W // CHUNK
VPC = CHUNK // LANES
CGRP = DIM // LANES

TSLICE = (GRID - 1) * DIM + LANES

_H = np.float32((XMAX - XMIN) / (GRID - 1))
_INV_H = np.float32(1.0) / _H
_C0 = np.float32(-XMIN) * _INV_H


def _spline_body(a_hbm, b_hbm, x_hbm, o_hbm, tab_a, tab_b, xbuf, obuf,
                 si0, si1, so0, so1):
    wid = lax.axis_index("s") * 2 + lax.axis_index("c")
    base = wid * PER_W

    pltpu.sync_copy(a_hbm, tab_a)
    pltpu.sync_copy(b_hbm, tab_b)

    lane = lax.iota(jnp.int32, LANES)
    sin = (si0, si1)
    sout = (so0, so1)

    def in_src(g):
        return x_hbm.at[pl.ds(base + g * CHUNK, CHUNK)]

    def out_dst(g):
        return o_hbm.at[pl.ds(base + g * CHUNK, CHUNK)]

    pltpu.async_copy(in_src(0), xbuf.at[0], si0)
    pltpu.async_copy(in_src(1), xbuf.at[1], si1)

    def step(i, _):
        for b in range(2):
            g = i * 2 + b
            pltpu.make_async_copy(in_src(g), xbuf.at[b], sin[b]).wait()

            @pl.when(i >= 1)
            def _():
                pltpu.make_async_copy(obuf.at[b], out_dst(g - 2), sout[b]).wait()

            @plsc.parallel_loop(0, VPC, unroll=8)
            def _(k):
                o = k * LANES
                cb = (k & (CGRP - 1)) * LANES
                xv = xbuf[b, pl.ds(o, LANES)]
                u0 = xv * _INV_H + _C0
                u = jnp.minimum(jnp.maximum(u0, 0.0), np.float32(GRID - 1))
                idx = (u.astype(jnp.int32) << 10) + lane
                av = plsc.load_gather(tab_a.at[pl.ds(cb, TSLICE)], [idx])
                bv = plsc.load_gather(tab_b.at[pl.ds(cb, TSLICE)], [idx])
                obuf[b, pl.ds(o, LANES)] = bv * u + av

            pltpu.async_copy(obuf.at[b], out_dst(g), sout[b])

            @pl.when(i < NCHUNK // 2 - 1)
            def _():
                pltpu.async_copy(in_src(g + 2), xbuf.at[b], sin[b])

        return 0

    lax.fori_loop(0, NCHUNK // 2, step, 0)

    pltpu.make_async_copy(obuf.at[0], out_dst(NCHUNK - 2), so0).wait()
    pltpu.make_async_copy(obuf.at[1], out_dst(NCHUNK - 1), so1).wait()


@jax.jit
def _spline_sc(a16, b16, x_flat):
    mesh = plsc.VectorSubcoreMesh(core_axis_name="c", subcore_axis_name="s")
    return pl.kernel(
        _spline_body,
        mesh=mesh,
        compiler_params=pltpu.CompilerParams(needs_layout_passes=False),
        out_type=jax.ShapeDtypeStruct((TOTAL,), jnp.float32),
        scratch_types=[
            pltpu.VMEM((DIM * GRID,), jnp.float32),
            pltpu.VMEM((DIM * GRID,), jnp.float32),
            pltpu.VMEM((2, CHUNK), jnp.float32),
            pltpu.VMEM((2, CHUNK), jnp.float32),
            pltpu.SemaphoreType.DMA,
            pltpu.SemaphoreType.DMA,
            pltpu.SemaphoreType.DMA,
            pltpu.SemaphoreType.DMA,
        ],
    )(a16, b16, x_flat)


def kernel(x, coeff, base_scale, base_bias):
    grid = jnp.linspace(XMIN, XMAX, GRID).astype(jnp.float32)
    y0 = coeff[:, :-1]
    y1 = coeff[:, 1:]
    s = (y1 - y0) / (grid[1:] - grid[:-1] + 1e-8)
    b_x = base_scale[:, None] + s
    a_x = base_bias[:, None] + y0 - s * grid[:-1]
    b_u = b_x * _H
    a_u = a_x + b_x * np.float32(XMIN)
    a16 = jnp.concatenate([a_u, a_u[:, -1:]], axis=1).T.reshape(-1)
    b16 = jnp.concatenate([b_u, b_u[:, -1:]], axis=1).T.reshape(-1)

    out_flat = _spline_sc(a16, b16, x.reshape(-1))
    return out_flat.reshape(N_ROWS, DIM)

# --- scband reference (transcript-rebuilt; emitter-appended) ---
"""Pipeline reference for scband-spline-transform-73950746903164 (READ-ONLY COPY).

The authoritative reference and input builder live on the scoring server;
editing this copy changes nothing except your own understanding.
"""

import jax, jax.numpy as jnp
import numpy as np

DIM = 1024
GRID = 16
XMIN = -3.5
XMAX = 3.5
N_ROWS = 32768


def setup_inputs(seed: int = 0) -> dict:
    key = jax.random.key(seed)
    k1, k2 = jax.random.split(key)
    x = jax.random.normal(k1, (N_ROWS, DIM), dtype=jnp.float32)
    # learned parameters sized per init_kwargs
    coeff = jax.random.normal(k2, (DIM, GRID), dtype=jnp.float32) * 0.01
    base_scale = jnp.ones((DIM,), dtype=jnp.float32)
    base_bias = jnp.zeros((DIM,), dtype=jnp.float32)
    return {"x": x, "coeff": coeff, "base_scale": base_scale, "base_bias": base_bias}


def reference(x, coeff, base_scale, base_bias):
    grid = jnp.linspace(XMIN, XMAX, GRID).astype(jnp.float32)
    xc = jnp.clip(x, XMIN, XMAX)
    # torch.bucketize(x, grid, right=False) == searchsorted side='left'
    idx = jnp.searchsorted(grid, xc, side='left')
    idx0 = jnp.clip(idx - 1, 0, GRID - 2)
    idx1 = idx0 + 1
    x0 = grid[idx0]
    x1 = grid[idx1]
    t = (xc - x0) / (x1 - x0 + 1e-08)
    # gather per-dim coefficients: coeff[d, idx0[b, d]]
    d_idx = jnp.arange(DIM)[None, :]
    y0 = coeff[d_idx, idx0]
    y1 = coeff[d_idx, idx1]
    return base_scale * xc + base_bias + y0 + t * (y1 - y0)

if __name__ == "__main__":
    import jax
    _d = setup_inputs()
    print(jax.jit(kernel)(*tuple(_d.values())))

</pallas_src>

<mosaic_0001>
#map = affine_map<(d0, d1) -> (0)>
module attributes {stable_mosaic.version = 14 : i64} {
  func.func @_spline_body(%arg0: i32, %arg1: i32, %arg2: memref<16384xf32, #tpu.memory_space<hbm>>, %arg3: memref<16384xf32, #tpu.memory_space<hbm>>, %arg4: memref<33554432xf32, #tpu.memory_space<hbm>>, %arg5: memref<33554432xf32, #tpu.memory_space<hbm>>, %arg6: memref<16384xf32, #tpu.memory_space<vmem>>, %arg7: memref<16384xf32, #tpu.memory_space<vmem>>, %arg8: memref<2x16384xf32, #tpu.memory_space<vmem>>, %arg9: memref<2x16384xf32, #tpu.memory_space<vmem>>, %arg10: memref<!tpu.dma_semaphore, #tpu.memory_space<semaphore_mem>>, %arg11: memref<!tpu.dma_semaphore, #tpu.memory_space<semaphore_mem>>, %arg12: memref<!tpu.dma_semaphore, #tpu.memory_space<semaphore_mem>>, %arg13: memref<!tpu.dma_semaphore, #tpu.memory_space<semaphore_mem>>) attributes {dimension_semantics = [#tpu.dimension_semantics<core_parallel>, #tpu.dimension_semantics<subcore_parallel>], iteration_bounds = array<i64: 2, 16>, scalar_prefetch = 0 : i64, scratch_operands = 8 : i64, tpu.core_type = #tpu.core_type<sc_vector_subcore>, window_params = [{transform_indices = #map}, {transform_indices = #map}, {transform_indices = #map}, {transform_indices = #map}]} {
    %mul3A = arith.constant 2 : i32
    %mul3A_0 = arith.muli %arg1, %mul3A : i32
    %add3A = arith.addi %mul3A_0, %arg0 : i32
    %mul3A_1 = arith.constant 1048576 : i32
    %mul3A_2 = arith.muli %add3A, %mul3A_1 : i32
    "tpu.region"() ({
      %run_scoped3A = tpu.sem_alloc : memref<!tpu.dma_semaphore, #tpu.memory_space<semaphore_mem>>
      tpu.enqueue_dma source(%arg2 : memref<16384xf32, #tpu.memory_space<hbm>>) target(%arg6 : memref<16384xf32, #tpu.memory_space<vmem>>) target_semaphore(%run_scoped3A : memref<!tpu.dma_semaphore, #tpu.memory_space<semaphore_mem>>)
      tpu.wait_dma2 semaphore(%run_scoped3A : memref<!tpu.dma_semaphore, #tpu.memory_space<semaphore_mem>>) src(%arg2 : memref<16384xf32, #tpu.memory_space<hbm>>) dst(%arg6 : memref<16384xf32, #tpu.memory_space<vmem>>)
      tpu.yield
    }) : () -> ()
    "tpu.region"() ({
      %run_scoped3A = tpu.sem_alloc : memref<!tpu.dma_semaphore, #tpu.memory_space<semaphore_mem>>
      tpu.enqueue_dma source(%arg3 : memref<16384xf32, #tpu.memory_space<hbm>>) target(%arg7 : memref<16384xf32, #tpu.memory_space<vmem>>) target_semaphore(%run_scoped3A : memref<!tpu.dma_semaphore, #tpu.memory_space<semaphore_mem>>)
      tpu.wait_dma2 semaphore(%run_scoped3A : memref<!tpu.dma_semaphore, #tpu.memory_space<semaphore_mem>>) src(%arg3 : memref<16384xf32, #tpu.memory_space<hbm>>) dst(%arg7 : memref<16384xf32, #tpu.memory_space<vmem>>)
      tpu.yield
    }) : () -> ()
    %iota3A = tpu.iota {dimensions = array<i32: 0>} : vector<16xi32>
    %add3A_3 = arith.constant 0 : i32
    %add3A_4 = arith.addi %mul3A_2, %add3A_3 : i32
    %dma_start3A = arith.constant 0 : i32
    %dma_start3A_5 = arith.constant 0 : i32
    %dma_start3A_6 = tpu.memref_slice %arg8[%dma_start3A, %dma_start3A_5] : memref<2x16384xf32, #tpu.memory_space<vmem>> -> memref<1x16384xf32, #tpu.memory_space<vmem>>
    %dma_start3A_7 = tpu.memref_squeeze %dma_start3A_6 : memref<1x16384xf32, #tpu.memory_space<vmem>> -> memref<16384xf32, #tpu.memory_space<vmem>>
    %dma_start3A_8 = tpu.memref_slice %arg4[%add3A_4] : memref<33554432xf32, #tpu.memory_space<hbm>> -> memref<16384xf32, #tpu.memory_space<hbm>>
    %dma_start3A_9 = arith.constant 0 : i32
    %dma_start3A_10 = tpu.memref_slice %arg8[%dma_start3A, %dma_start3A_9] : memref<2x16384xf32, #tpu.memory_space<vmem>> -> memref<1x16384xf32, #tpu.memory_space<vmem>>
    %dma_start3A_11 = tpu.memref_squeeze %dma_start3A_10 : memref<1x16384xf32, #tpu.memory_space<vmem>> -> memref<16384xf32, #tpu.memory_space<vmem>>
    %dma_start3A_12 = tpu.memref_slice %arg4[%add3A_4] : memref<33554432xf32, #tpu.memory_space<hbm>> -> memref<16384xf32, #tpu.memory_space<hbm>>
    tpu.enqueue_dma source(%dma_start3A_12 : memref<16384xf32, #tpu.memory_space<hbm>>) target(%dma_start3A_11 : memref<16384xf32, #tpu.memory_space<vmem>>) target_semaphore(%arg10 : memref<!tpu.dma_semaphore, #tpu.memory_space<semaphore_mem>>)
    %add3A_13 = arith.constant 16384 : i32
    %add3A_14 = arith.addi %mul3A_2, %add3A_13 : i32
    %dma_start3A_15 = arith.constant 1 : i32
    %dma_start3A_16 = arith.constant 0 : i32
    %dma_start3A_17 = tpu.memref_slice %arg8[%dma_start3A_15, %dma_start3A_16] : memref<2x16384xf32, #tpu.memory_space<vmem>> -> memref<1x16384xf32, #tpu.memory_space<vmem>>
    %dma_start3A_18 = tpu.memref_squeeze %dma_start3A_17 : memref<1x16384xf32, #tpu.memory_space<vmem>> -> memref<16384xf32, #tpu.memory_space<vmem>>
    %dma_start3A_19 = tpu.memref_slice %arg4[%add3A_14] : memref<33554432xf32, #tpu.memory_space<hbm>> -> memref<16384xf32, #tpu.memory_space<hbm>>
    %dma_start3A_20 = arith.constant 0 : i32
    %dma_start3A_21 = tpu.memref_slice %arg8[%dma_start3A_15, %dma_start3A_20] : memref<2x16384xf32, #tpu.memory_space<vmem>> -> memref<1x16384xf32, #tpu.memory_space<vmem>>
    %dma_start3A_22 = tpu.memref_squeeze %dma_start3A_21 : memref<1x16384xf32, #tpu.memory_space<vmem>> -> memref<16384xf32, #tpu.memory_space<vmem>>
    %dma_start3A_23 = tpu.memref_slice %arg4[%add3A_14] : memref<33554432xf32, #tpu.memory_space<hbm>> -> memref<16384xf32, #tpu.memory_space<hbm>>
    tpu.enqueue_dma source(%dma_start3A_23 : memref<16384xf32, #tpu.memory_space<hbm>>) target(%dma_start3A_22 : memref<16384xf32, #tpu.memory_space<vmem>>) target_semaphore(%arg11 : memref<!tpu.dma_semaphore, #tpu.memory_space<semaphore_mem>>)
    %scan3A = arith.constant 0 : i32
    %scan3A_24 = arith.constant 0 : i32
    %scan3A_25 = arith.constant 32 : i32
    %scan3A_26 = arith.addi %scan3A_24, %scan3A_25 : i32
    %scan3A_27 = arith.constant 1 : i32
    %scan3A_28 = scf.for %scan3A_51 = %scan3A_24 to %scan3A_26 step %scan3A_27 iter_args(%scan3A_52 = %scan3A) -> (i32)  : i32 {
      %mul3A_53 = arith.constant 2 : i32
      %mul3A_54 = arith.muli %scan3A_51, %mul3A_53 : i32
      %add3A_55 = arith.constant 0 : i32
      %add3A_56 = arith.addi %mul3A_54, %add3A_55 : i32
      %mul3A_57 = arith.constant 16384 : i32
      %mul3A_58 = arith.muli %add3A_56, %mul3A_57 : i32
      %add3A_59 = arith.addi %mul3A_2, %mul3A_58 : i32
      %dma_wait3A_60 = arith.constant 0 : i32
      %dma_wait3A_61 = arith.constant 0 : i32
      %dma_wait3A_62 = tpu.memref_slice %arg8[%dma_wait3A_60, %dma_wait3A_61] : memref<2x16384xf32, #tpu.memory_space<vmem>> -> memref<1x16384xf32, #tpu.memory_space<vmem>>
      %dma_wait3A_63 = tpu.memref_squeeze %dma_wait3A_62 : memref<1x16384xf32, #tpu.memory_space<vmem>> -> memref<16384xf32, #tpu.memory_space<vmem>>
      %dma_wait3A_64 = tpu.memref_slice %arg4[%add3A_59] : memref<33554432xf32, #tpu.memory_space<hbm>> -> memref<16384xf32, #tpu.memory_space<hbm>>
      %dma_wait3A_65 = arith.constant 0 : i32
      %dma_wait3A_66 = tpu.memref_slice %arg8[%dma_wait3A_60, %dma_wait3A_65] : memref<2x16384xf32, #tpu.memory_space<vmem>> -> memref<1x16384xf32, #tpu.memory_space<vmem>>
      %dma_wait3A_67 = tpu.memref_squeeze %dma_wait3A_66 : memref<1x16384xf32, #tpu.memory_space<vmem>> -> memref<16384xf32, #tpu.memory_space<vmem>>
      %dma_wait3A_68 = tpu.memref_slice %arg4[%add3A_59] : memref<33554432xf32, #tpu.memory_space<hbm>> -> memref<16384xf32, #tpu.memory_space<hbm>>
      tpu.wait_dma2 semaphore(%arg10 : memref<!tpu.dma_semaphore, #tpu.memory_space<semaphore_mem>>) src(%dma_wait3A_68 : memref<16384xf32, #tpu.memory_space<hbm>>) dst(%dma_wait3A_67 : memref<16384xf32, #tpu.memory_space<vmem>>)
      %ge3A = arith.constant 1 : i32
      %ge3A_69 = arith.cmpi sge, %scan3A_51, %ge3A : i32
      %convert_element_type3A = arith.extui %ge3A_69 : i1 to i32
      %cond3A = arith.constant 0 : i32
      %cond3A_70 = arith.cmpi ne, %convert_element_type3A, %cond3A : i32
      scf.if %cond3A_70 {
        %sub3A = arith.constant 2 : i32
        %sub3A_131 = arith.subi %add3A_56, %sub3A : i32
        %mul3A_132 = arith.constant 16384 : i32
        %mul3A_133 = arith.muli %sub3A_131, %mul3A_132 : i32
        %add3A_134 = arith.addi %mul3A_2, %mul3A_133 : i32
        %dma_wait3A_135 = arith.constant 0 : i32
        %dma_wait3A_136 = arith.constant 0 : i32
        %dma_wait3A_137 = tpu.memref_slice %arg9[%dma_wait3A_135, %dma_wait3A_136] : memref<2x16384xf32, #tpu.memory_space<vmem>> -> memref<1x16384xf32, #tpu.memory_space<vmem>>
        %dma_wait3A_138 = tpu.memref_squeeze %dma_wait3A_137 : memref<1x16384xf32, #tpu.memory_space<vmem>> -> memref<16384xf32, #tpu.memory_space<vmem>>
        %dma_wait3A_139 = tpu.memref_slice %arg5[%add3A_134] : memref<33554432xf32, #tpu.memory_space<hbm>> -> memref<16384xf32, #tpu.memory_space<hbm>>
        %dma_wait3A_140 = tpu.memref_slice %arg5[%add3A_134] : memref<33554432xf32, #tpu.memory_space<hbm>> -> memref<16384xf32, #tpu.memory_space<hbm>>
        %dma_wait3A_141 = arith.constant 0 : i32
        %dma_wait3A_142 = tpu.memref_slice %arg9[%dma_wait3A_135, %dma_wait3A_141] : memref<2x16384xf32, #tpu.memory_space<vmem>> -> memref<1x16384xf32, #tpu.memory_space<vmem>>
        %dma_wait3A_143 = tpu.memref_squeeze %dma_wait3A_142 : memref<1x16384xf32, #tpu.memory_space<vmem>> -> memref<16384xf32, #tpu.memory_space<vmem>>
        tpu.wait_dma2 semaphore(%arg12 : memref<!tpu.dma_semaphore, #tpu.memory_space<semaphore_mem>>) src(%dma_wait3A_143 : memref<16384xf32, #tpu.memory_space<vmem>>) dst(%dma_wait3A_140 : memref<16384xf32, #tpu.memory_space<hbm>>)
      } else {
      }
      %parallel_loop3A = arith.constant 0 : i32
      %parallel_loop3A_71 = arith.constant 1024 : i32
      %parallel_loop3A_72 = arith.constant 1 : i32
      scf.for %parallel_loop3A_131 = %parallel_loop3A to %parallel_loop3A_71 step %parallel_loop3A_72  : i32 {
        %parallel_loop3A_132 = arith.constant 16 : i32
        %parallel_loop3A_133 = arith.muli %parallel_loop3A_131, %parallel_loop3A_132 : i32
        %parallel_loop3A_134 = arith.constant 63 : i32
        %parallel_loop3A_135 = arith.andi %parallel_loop3A_131, %parallel_loop3A_134 : i32
        %parallel_loop3A_136 = arith.constant 16 : i32
        %parallel_loop3A_137 = arith.muli %parallel_loop3A_135, %parallel_loop3A_136 : i32
        %parallel_loop3A_138 = arith.constant 0 : i32
        %parallel_loop3A_139 = arith.index_cast %parallel_loop3A_138 : i32 to index
        %parallel_loop3A_140 = arith.index_cast %parallel_loop3A_133 : i32 to index
        %parallel_loop3A_141 = tpu.vector_load %arg8[%parallel_loop3A_139, %parallel_loop3A_140] {strides = array<i32>} : memref<2x16384xf32, #tpu.memory_space<vmem>>, vector<16xf32>,
        %parallel_loop3A_142 = arith.constant 2.14285707 : f32
        %parallel_loop3A_143 = vector.broadcast %parallel_loop3A_142 : f32 to vector<16xf32>
        %parallel_loop3A_144 = arith.mulf %parallel_loop3A_141, %parallel_loop3A_143 : vector<16xf32>
        %parallel_loop3A_145 = arith.constant 7.500000e+00 : f32
        %parallel_loop3A_146 = vector.broadcast %parallel_loop3A_145 : f32 to vector<16xf32>
        %parallel_loop3A_147 = arith.addf %parallel_loop3A_144, %parallel_loop3A_146 : vector<16xf32>
        %parallel_loop3A_148 = arith.constant 0.000000e+00 : f32
        %parallel_loop3A_149 = vector.broadcast %parallel_loop3A_148 : f32 to vector<16xf32>
        %parallel_loop3A_150 = arith.maximumf %parallel_loop3A_147, %parallel_loop3A_149 : vector<16xf32>
        %parallel_loop3A_151 = arith.constant 1.500000e+01 : f32
        %parallel_loop3A_152 = vector.broadcast %parallel_loop3A_151 : f32 to vector<16xf32>
        %parallel_loop3A_153 = arith.minimumf %parallel_loop3A_150, %parallel_loop3A_152 : vector<16xf32>
        %parallel_loop3A_154 = arith.fptosi %parallel_loop3A_153 : vector<16xf32> to vector<16xi32>
        %parallel_loop3A_155 = arith.constant 10 : i32
        %parallel_loop3A_156 = vector.broadcast %parallel_loop3A_155 : i32 to vector<16xi32>
        %parallel_loop3A_157 = arith.shli %parallel_loop3A_154, %parallel_loop3A_156 : vector<16xi32>
        %parallel_loop3A_158 = arith.addi %parallel_loop3A_157, %iota3A : vector<16xi32>
        %parallel_loop3A_159 = tpu.memref_slice %arg6[%parallel_loop3A_137] : memref<16384xf32, #tpu.memory_space<vmem>> -> memref<15376xf32, #tpu.memory_space<vmem>>
        %parallel_loop3A_160 = tpu.vector_load_idx %parallel_loop3A_159[%parallel_loop3A_158] : memref<15376xf32, #tpu.memory_space<vmem>>[vector<16xi32>], vector<16xf32>,
        %parallel_loop3A_161 = tpu.memref_slice %arg7[%parallel_loop3A_137] : memref<16384xf32, #tpu.memory_space<vmem>> -> memref<15376xf32, #tpu.memory_space<vmem>>
        %parallel_loop3A_162 = tpu.vector_load_idx %parallel_loop3A_161[%parallel_loop3A_158] : memref<15376xf32, #tpu.memory_space<vmem>>[vector<16xi32>], vector<16xf32>,
        %parallel_loop3A_163 = arith.mulf %parallel_loop3A_162, %parallel_loop3A_153 : vector<16xf32>
        %parallel_loop3A_164 = arith.addf %parallel_loop3A_163, %parallel_loop3A_160 : vector<16xf32>
        %parallel_loop3A_165 = arith.constant 0 : i32
        %parallel_loop3A_166 = arith.index_cast %parallel_loop3A_165 : i32 to index
        %parallel_loop3A_167 = arith.index_cast %parallel_loop3A_133 : i32 to index
        %parallel_loop3A_168 = tpu.vector_load %arg9[%parallel_loop3A_166, %parallel_loop3A_167] {strides = array<i32>} : memref<2x16384xf32, #tpu.memory_space<vmem>>, vector<16xf32>,
        tpu.vector_store %arg9[%parallel_loop3A_166, %parallel_loop3A_167], %parallel_loop3A_164 {strides = array<i32>} : memref<2x16384xf32, #tpu.memory_space<vmem>>, vector<16xf32>,
      } {sc.loop_unroll_factor = 8 : i64, sc.parallel_access}
      %mul3A_73 = arith.constant 16384 : i32
      %mul3A_74 = arith.muli %add3A_56, %mul3A_73 : i32
      %add3A_75 = arith.addi %mul3A_2, %mul3A_74 : i32
      %dma_start3A_76 = arith.constant 0 : i32
      %dma_start3A_77 = arith.constant 0 : i32
      %dma_start3A_78 = tpu.memref_slice %arg9[%dma_start3A_76, %dma_start3A_77] : memref<2x16384xf32, #tpu.memory_space<vmem>> -> memref<1x16384xf32, #tpu.memory_space<vmem>>
      %dma_start3A_79 = tpu.memref_squeeze %dma_start3A_78 : memref<1x16384xf32, #tpu.memory_space<vmem>> -> memref<16384xf32, #tpu.memory_space<vmem>>
      %dma_start3A_80 = tpu.memref_slice %arg5[%add3A_75] : memref<33554432xf32, #tpu.memory_space<hbm>> -> memref<16384xf32, #tpu.memory_space<hbm>>
      %dma_start3A_81 = tpu.memref_slice %arg5[%add3A_75] : memref<33554432xf32, #tpu.memory_space<hbm>> -> memref<16384xf32, #tpu.memory_space<hbm>>
      %dma_start3A_82 = arith.constant 0 : i32
      %dma_start3A_83 = tpu.memref_slice %arg9[%dma_start3A_76, %dma_start3A_82] : memref<2x16384xf32, #tpu.memory_space<vmem>> -> memref<1x16384xf32, #tpu.memory_space<vmem>>
      %dma_start3A_84 = tpu.memref_squeeze %dma_start3A_83 : memref<1x16384xf32, #tpu.memory_space<vmem>> -> memref<16384xf32, #tpu.memory_space<vmem>>
      tpu.enqueue_dma source(%dma_start3A_84 : memref<16384xf32, #tpu.memory_space<vmem>>) target(%dma_start3A_81 : memref<16384xf32, #tpu.memory_space<hbm>>) target_semaphore(%arg12 : memref<!tpu.dma_semaphore, #tpu.memory_space<semaphore_mem>>)
      %lt3A = arith.constant 31 : i32
      %lt3A_85 = arith.cmpi slt, %scan3A_51, %lt3A : i32
      %convert_element_type3A_86 = arith.extui %lt3A_85 : i1 to i32
      %cond3A_87 = arith.constant 0 : i32
      %cond3A_88 = arith.cmpi ne, %convert_element_type3A_86, %cond3A_87 : i32
      scf.if %cond3A_88 {
        %add3A_131 = arith.constant 2 : i32
        %add3A_132 = arith.addi %add3A_56, %add3A_131 : i32
        %mul3A_133 = arith.constant 16384 : i32
        %mul3A_134 = arith.muli %add3A_132, %mul3A_133 : i32
        %add3A_135 = arith.addi %mul3A_2, %mul3A_134 : i32
        %dma_start3A_136 = arith.constant 0 : i32
        %dma_start3A_137 = arith.constant 0 : i32
        %dma_start3A_138 = tpu.memref_slice %arg8[%dma_start3A_136, %dma_start3A_137] : memref<2x16384xf32, #tpu.memory_space<vmem>> -> memref<1x16384xf32, #tpu.memory_space<vmem>>
        %dma_start3A_139 = tpu.memref_squeeze %dma_start3A_138 : memref<1x16384xf32, #tpu.memory_space<vmem>> -> memref<16384xf32, #tpu.memory_space<vmem>>
        %dma_start3A_140 = tpu.memref_slice %arg4[%add3A_135] : memref<33554432xf32, #tpu.memory_space<hbm>> -> memref<16384xf32, #tpu.memory_space<hbm>>
        %dma_start3A_141 = arith.constant 0 : i32
        %dma_start3A_142 = tpu.memref_slice %arg8[%dma_start3A_136, %dma_start3A_141] : memref<2x16384xf32, #tpu.memory_space<vmem>> -> memref<1x16384xf32, #tpu.memory_space<vmem>>
        %dma_start3A_143 = tpu.memref_squeeze %dma_start3A_142 : memref<1x16384xf32, #tpu.memory_space<vmem>> -> memref<16384xf32, #tpu.memory_space<vmem>>
        %dma_start3A_144 = tpu.memref_slice %arg4[%add3A_135] : memref<33554432xf32, #tpu.memory_space<hbm>> -> memref<16384xf32, #tpu.memory_space<hbm>>
        tpu.enqueue_dma source(%dma_start3A_144 : memref<16384xf32, #tpu.memory_space<hbm>>) target(%dma_start3A_143 : memref<16384xf32, #tpu.memory_space<vmem>>) target_semaphore(%arg10 : memref<!tpu.dma_semaphore, #tpu.memory_space<semaphore_mem>>)
      } else {
      }
      %mul3A_89 = arith.constant 2 : i32
      %mul3A_90 = arith.muli %scan3A_51, %mul3A_89 : i32
      %add3A_91 = arith.constant 1 : i32
      %add3A_92 = arith.addi %mul3A_90, %add3A_91 : i32
      %mul3A_93 = arith.constant 16384 : i32
      %mul3A_94 = arith.muli %add3A_92, %mul3A_93 : i32
      %add3A_95 = arith.addi %mul3A_2, %mul3A_94 : i32
      %dma_wait3A_96 = arith.constant 1 : i32
      %dma_wait3A_97 = arith.constant 0 : i32
      %dma_wait3A_98 = tpu.memref_slice %arg8[%dma_wait3A_96, %dma_wait3A_97] : memref<2x16384xf32, #tpu.memory_space<vmem>> -> memref<1x16384xf32, #tpu.memory_space<vmem>>
      %dma_wait3A_99 = tpu.memref_squeeze %dma_wait3A_98 : memref<1x16384xf32, #tpu.memory_space<vmem>> -> memref<16384xf32, #tpu.memory_space<vmem>>
      %dma_wait3A_100 = tpu.memref_slice %arg4[%add3A_95] : memref<33554432xf32, #tpu.memory_space<hbm>> -> memref<16384xf32, #tpu.memory_space<hbm>>
      %dma_wait3A_101 = arith.constant 0 : i32
      %dma_wait3A_102 = tpu.memref_slice %arg8[%dma_wait3A_96, %dma_wait3A_101] : memref<2x16384xf32, #tpu.memory_space<vmem>> -> memref<1x16384xf32, #tpu.memory_space<vmem>>
      %dma_wait3A_103 = tpu.memref_squeeze %dma_wait3A_102 : memref<1x16384xf32, #tpu.memory_space<vmem>> -> memref<16384xf32, #tpu.memory_space<vmem>>
      %dma_wait3A_104 = tpu.memref_slice %arg4[%add3A_95] : memref<33554432xf32, #tpu.memory_space<hbm>> -> memref<16384xf32, #tpu.memory_space<hbm>>
      tpu.wait_dma2 semaphore(%arg11 : memref<!tpu.dma_semaphore, #tpu.memory_space<semaphore_mem>>) src(%dma_wait3A_104 : memref<16384xf32, #tpu.memory_space<hbm>>) dst(%dma_wait3A_103 : memref<16384xf32, #tpu.memory_space<vmem>>)
      %ge3A_105 = arith.constant 1 : i32
      %ge3A_106 = arith.cmpi sge, %scan3A_51, %ge3A_105 : i32
      %convert_element_type3A_107 = arith.extui %ge3A_106 : i1 to i32
      %cond3A_108 = arith.constant 0 : i32
      %cond3A_109 = arith.cmpi ne, %convert_element_type3A_107, %cond3A_108 : i32
      scf.if %cond3A_109 {
        %sub3A = arith.constant 2 : i32
        %sub3A_131 = arith.subi %add3A_92, %sub3A : i32
        %mul3A_132 = arith.constant 16384 : i32
        %mul3A_133 = arith.muli %sub3A_131, %mul3A_132 : i32
        %add3A_134 = arith.addi %mul3A_2, %mul3A_133 : i32
        %dma_wait3A_135 = arith.constant 1 : i32
        %dma_wait3A_136 = arith.constant 0 : i32
        %dma_wait3A_137 = tpu.memref_slice %arg9[%dma_wait3A_135, %dma_wait3A_136] : memref<2x16384xf32, #tpu.memory_space<vmem>> -> memref<1x16384xf32, #tpu.memory_space<vmem>>
        %dma_wait3A_138 = tpu.memref_squeeze %dma_wait3A_137 : memref<1x16384xf32, #tpu.memory_space<vmem>> -> memref<16384xf32, #tpu.memory_space<vmem>>
        %dma_wait3A_139 = tpu.memref_slice %arg5[%add3A_134] : memref<33554432xf32, #tpu.memory_space<hbm>> -> memref<16384xf32, #tpu.memory_space<hbm>>
        %dma_wait3A_140 = tpu.memref_slice %arg5[%add3A_134] : memref<33554432xf32, #tpu.memory_space<hbm>> -> memref<16384xf32, #tpu.memory_space<hbm>>
        %dma_wait3A_141 = arith.constant 0 : i32
        %dma_wait3A_142 = tpu.memref_slice %arg9[%dma_wait3A_135, %dma_wait3A_141] : memref<2x16384xf32, #tpu.memory_space<vmem>> -> memref<1x16384xf32, #tpu.memory_space<vmem>>
        %dma_wait3A_143 = tpu.memref_squeeze %dma_wait3A_142 : memref<1x16384xf32, #tpu.memory_space<vmem>> -> memref<16384xf32, #tpu.memory_space<vmem>>
        tpu.wait_dma2 semaphore(%arg13 : memref<!tpu.dma_semaphore, #tpu.memory_space<semaphore_mem>>) src(%dma_wait3A_143 : memref<16384xf32, #tpu.memory_space<vmem>>) dst(%dma_wait3A_140 : memref<16384xf32, #tpu.memory_space<hbm>>)
      } else {
      }
      %parallel_loop3A_110 = arith.constant 0 : i32
      %parallel_loop3A_111 = arith.constant 1024 : i32
      %parallel_loop3A_112 = arith.constant 1 : i32
      scf.for %parallel_loop3A_131 = %parallel_loop3A_110 to %parallel_loop3A_111 step %parallel_loop3A_112  : i32 {
        %parallel_loop3A_132 = arith.constant 16 : i32
        %parallel_loop3A_133 = arith.muli %parallel_loop3A_131, %parallel_loop3A_132 : i32
        %parallel_loop3A_134 = arith.constant 63 : i32
        %parallel_loop3A_135 = arith.andi %parallel_loop3A_131, %parallel_loop3A_134 : i32
        %parallel_loop3A_136 = arith.constant 16 : i32
        %parallel_loop3A_137 = arith.muli %parallel_loop3A_135, %parallel_loop3A_136 : i32
        %parallel_loop3A_138 = arith.constant 1 : i32
        %parallel_loop3A_139 = arith.index_cast %parallel_loop3A_138 : i32 to index
        %parallel_loop3A_140 = arith.index_cast %parallel_loop3A_133 : i32 to index
        %parallel_loop3A_141 = tpu.vector_load %arg8[%parallel_loop3A_139, %parallel_loop3A_140] {strides = array<i32>} : memref<2x16384xf32, #tpu.memory_space<vmem>>, vector<16xf32>,
        %parallel_loop3A_142 = arith.constant 2.14285707 : f32
        %parallel_loop3A_143 = vector.broadcast %parallel_loop3A_142 : f32 to vector<16xf32>
        %parallel_loop3A_144 = arith.mulf %parallel_loop3A_141, %parallel_loop3A_143 : vector<16xf32>
        %parallel_loop3A_145 = arith.constant 7.500000e+00 : f32
        %parallel_loop3A_146 = vector.broadcast %parallel_loop3A_145 : f32 to vector<16xf32>
        %parallel_loop3A_147 = arith.addf %parallel_loop3A_144, %parallel_loop3A_146 : vector<16xf32>
        %parallel_loop3A_148 = arith.constant 0.000000e+00 : f32
        %parallel_loop3A_149 = vector.broadcast %parallel_loop3A_148 : f32 to vector<16xf32>
        %parallel_loop3A_150 = arith.maximumf %parallel_loop3A_147, %parallel_loop3A_149 : vector<16xf32>
        %parallel_loop3A_151 = arith.constant 1.500000e+01 : f32
        %parallel_loop3A_152 = vector.broadcast %parallel_loop3A_151 : f32 to vector<16xf32>
        %parallel_loop3A_153 = arith.minimumf %parallel_loop3A_150, %parallel_loop3A_152 : vector<16xf32>
        %parallel_loop3A_154 = arith.fptosi %parallel_loop3A_153 : vector<16xf32> to vector<16xi32>
        %parallel_loop3A_155 = arith.constant 10 : i32
        %parallel_loop3A_156 = vector.broadcast %parallel_loop3A_155 : i32 to vector<16xi32>
        %parallel_loop3A_157 = arith.shli %parallel_loop3A_154, %parallel_loop3A_156 : vector<16xi32>
        %parallel_loop3A_158 = arith.addi %parallel_loop3A_157, %iota3A : vector<16xi32>
        %parallel_loop3A_159 = tpu.memref_slice %arg6[%parallel_loop3A_137] : memref<16384xf32, #tpu.memory_space<vmem>> -> memref<15376xf32, #tpu.memory_space<vmem>>
        %parallel_loop3A_160 = tpu.vector_load_idx %parallel_loop3A_159[%parallel_loop3A_158] : memref<15376xf32, #tpu.memory_space<vmem>>[vector<16xi32>], vector<16xf32>,
        %parallel_loop3A_161 = tpu.memref_slice %arg7[%parallel_loop3A_137] : memref<16384xf32, #tpu.memory_space<vmem>> -> memref<15376xf32, #tpu.memory_space<vmem>>
        %parallel_loop3A_162 = tpu.vector_load_idx %parallel_loop3A_161[%parallel_loop3A_158] : memref<15376xf32, #tpu.memory_space<vmem>>[vector<16xi32>], vector<16xf32>,
        %parallel_loop3A_163 = arith.mulf %parallel_loop3A_162, %parallel_loop3A_153 : vector<16xf32>
        %parallel_loop3A_164 = arith.addf %parallel_loop3A_163, %parallel_loop3A_160 : vector<16xf32>
        %parallel_loop3A_165 = arith.constant 1 : i32
        %parallel_loop3A_166 = arith.index_cast %parallel_loop3A_165 : i32 to index
        %parallel_loop3A_167 = arith.index_cast %parallel_loop3A_133 : i32 to index
        %parallel_loop3A_168 = tpu.vector_load %arg9[%parallel_loop3A_166, %parallel_loop3A_167] {strides = array<i32>} : memref<2x16384xf32, #tpu.memory_space<vmem>>, vector<16xf32>,
        tpu.vector_store %arg9[%parallel_loop3A_166, %parallel_loop3A_167], %parallel_loop3A_164 {strides = array<i32>} : memref<2x16384xf32, #tpu.memory_space<vmem>>, vector<16xf32>,
      } {sc.loop_unroll_factor = 8 : i64, sc.parallel_access}
      %mul3A_113 = arith.constant 16384 : i32
      %mul3A_114 = arith.muli %add3A_92, %mul3A_113 : i32
      %add3A_115 = arith.addi %mul3A_2, %mul3A_114 : i32
      %dma_start3A_116 = arith.constant 1 : i32
      %dma_start3A_117 = arith.constant 0 : i32
      %dma_start3A_118 = tpu.memref_slice %arg9[%dma_start3A_116, %dma_start3A_117] : memref<2x16384xf32, #tpu.memory_space<vmem>> -> memref<1x16384xf32, #tpu.memory_space<vmem>>
      %dma_start3A_119 = tpu.memref_squeeze %dma_start3A_118 : memref<1x16384xf32, #tpu.memory_space<vmem>> -> memref<16384xf32, #tpu.memory_space<vmem>>
      %dma_start3A_120 = tpu.memref_slice %arg5[%add3A_115] : memref<33554432xf32, #tpu.memory_space<hbm>> -> memref<16384xf32, #tpu.memory_space<hbm>>
      %dma_start3A_121 = tpu.memref_slice %arg5[%add3A_115] : memref<33554432xf32, #tpu.memory_space<hbm>> -> memref<16384xf32, #tpu.memory_space<hbm>>
      %dma_start3A_122 = arith.constant 0 : i32
      %dma_start3A_123 = tpu.memref_slice %arg9[%dma_start3A_116, %dma_start3A_122] : memref<2x16384xf32, #tpu.memory_space<vmem>> -> memref<1x16384xf32, #tpu.memory_space<vmem>>
      %dma_start3A_124 = tpu.memref_squeeze %dma_start3A_123 : memref<1x16384xf32, #tpu.memory_space<vmem>> -> memref<16384xf32, #tpu.memory_space<vmem>>
      tpu.enqueue_dma source(%dma_start3A_124 : memref<16384xf32, #tpu.memory_space<vmem>>) target(%dma_start3A_121 : memref<16384xf32, #tpu.memory_space<hbm>>) target_semaphore(%arg13 : memref<!tpu.dma_semaphore, #tpu.memory_space<semaphore_mem>>)
      %lt3A_125 = arith.constant 31 : i32
      %lt3A_126 = arith.cmpi slt, %scan3A_51, %lt3A_125 : i32
      %convert_element_type3A_127 = arith.extui %lt3A_126 : i1 to i32
      %cond3A_128 = arith.constant 0 : i32
      %cond3A_129 = arith.cmpi ne, %convert_element_type3A_127, %cond3A_128 : i32
      scf.if %cond3A_129 {
        %add3A_131 = arith.constant 2 : i32
        %add3A_132 = arith.addi %add3A_92, %add3A_131 : i32
        %mul3A_133 = arith.constant 16384 : i32
        %mul3A_134 = arith.muli %add3A_132, %mul3A_133 : i32
        %add3A_135 = arith.addi %mul3A_2, %mul3A_134 : i32
        %dma_start3A_136 = arith.constant 1 : i32
        %dma_start3A_137 = arith.constant 0 : i32
        %dma_start3A_138 = tpu.memref_slice %arg8[%dma_start3A_136, %dma_start3A_137] : memref<2x16384xf32, #tpu.memory_space<vmem>> -> memref<1x16384xf32, #tpu.memory_space<vmem>>
        %dma_start3A_139 = tpu.memref_squeeze %dma_start3A_138 : memref<1x16384xf32, #tpu.memory_space<vmem>> -> memref<16384xf32, #tpu.memory_space<vmem>>
        %dma_start3A_140 = tpu.memref_slice %arg4[%add3A_135] : memref<33554432xf32, #tpu.memory_space<hbm>> -> memref<16384xf32, #tpu.memory_space<hbm>>
        %dma_start3A_141 = arith.constant 0 : i32
        %dma_start3A_142 = tpu.memref_slice %arg8[%dma_start3A_136, %dma_start3A_141] : memref<2x16384xf32, #tpu.memory_space<vmem>> -> memref<1x16384xf32, #tpu.memory_space<vmem>>
        %dma_start3A_143 = tpu.memref_squeeze %dma_start3A_142 : memref<1x16384xf32, #tpu.memory_space<vmem>> -> memref<16384xf32, #tpu.memory_space<vmem>>
        %dma_start3A_144 = tpu.memref_slice %arg4[%add3A_135] : memref<33554432xf32, #tpu.memory_space<hbm>> -> memref<16384xf32, #tpu.memory_space<hbm>>
        tpu.enqueue_dma source(%dma_start3A_144 : memref<16384xf32, #tpu.memory_space<hbm>>) target(%dma_start3A_143 : memref<16384xf32, #tpu.memory_space<vmem>>) target_semaphore(%arg11 : memref<!tpu.dma_semaphore, #tpu.memory_space<semaphore_mem>>)
      } else {
      }
      %scan3A_130 = arith.constant 0 : i32
      scf.yield %scan3A_130 : i32
    }
    %scan3A_29 = arith.constant 32 : i32
    %add3A_30 = arith.constant 1015808 : i32
    %add3A_31 = arith.addi %mul3A_2, %add3A_30 : i32
    %dma_wait3A = arith.constant 0 : i32
    %dma_wait3A_32 = arith.constant 0 : i32
    %dma_wait3A_33 = tpu.memref_slice %arg9[%dma_wait3A, %dma_wait3A_32] : memref<2x16384xf32, #tpu.memory_space<vmem>> -> memref<1x16384xf32, #tpu.memory_space<vmem>>
    %dma_wait3A_34 = tpu.memref_squeeze %dma_wait3A_33 : memref<1x16384xf32, #tpu.memory_space<vmem>> -> memref<16384xf32, #tpu.memory_space<vmem>>
    %dma_wait3A_35 = tpu.memref_slice %arg5[%add3A_31] : memref<33554432xf32, #tpu.memory_space<hbm>> -> memref<16384xf32, #tpu.memory_space<hbm>>
    %dma_wait3A_36 = tpu.memref_slice %arg5[%add3A_31] : memref<33554432xf32, #tpu.memory_space<hbm>> -> memref<16384xf32, #tpu.memory_space<hbm>>
    %dma_wait3A_37 = arith.constant 0 : i32
    %dma_wait3A_38 = tpu.memref_slice %arg9[%dma_wait3A, %dma_wait3A_37] : memref<2x16384xf32, #tpu.memory_space<vmem>> -> memref<1x16384xf32, #tpu.memory_space<vmem>>
    %dma_wait3A_39 = tpu.memref_squeeze %dma_wait3A_38 : memref<1x16384xf32, #tpu.memory_space<vmem>> -> memref<16384xf32, #tpu.memory_space<vmem>>
    tpu.wait_dma2 semaphore(%arg12 : memref<!tpu.dma_semaphore, #tpu.memory_space<semaphore_mem>>) src(%dma_wait3A_39 : memref<16384xf32, #tpu.memory_space<vmem>>) dst(%dma_wait3A_36 : memref<16384xf32, #tpu.memory_space<hbm>>)
    %add3A_40 = arith.constant 1032192 : i32
    %add3A_41 = arith.addi %mul3A_2, %add3A_40 : i32
    %dma_wait3A_42 = arith.constant 1 : i32
    %dma_wait3A_43 = arith.constant 0 : i32
    %dma_wait3A_44 = tpu.memref_slice %arg9[%dma_wait3A_42, %dma_wait3A_43] : memref<2x16384xf32, #tpu.memory_space<vmem>> -> memref<1x16384xf32, #tpu.memory_space<vmem>>
    %dma_wait3A_45 = tpu.memref_squeeze %dma_wait3A_44 : memref<1x16384xf32, #tpu.memory_space<vmem>> -> memref<16384xf32, #tpu.memory_space<vmem>>
    %dma_wait3A_46 = tpu.memref_slice %arg5[%add3A_41] : memref<33554432xf32, #tpu.memory_space<hbm>> -> memref<16384xf32, #tpu.memory_space<hbm>>
    %dma_wait3A_47 = tpu.memref_slice %arg5[%add3A_41] : memref<33554432xf32, #tpu.memory_space<hbm>> -> memref<16384xf32, #tpu.memory_space<hbm>>
    %dma_wait3A_48 = arith.constant 0 : i32
    %dma_wait3A_49 = tpu.memref_slice %arg9[%dma_wait3A_42, %dma_wait3A_48] : memref<2x16384xf32, #tpu.memory_space<vmem>> -> memref<1x16384xf32, #tpu.memory_space<vmem>>
    %dma_wait3A_50 = tpu.memref_squeeze %dma_wait3A_49 : memref<1x16384xf32, #tpu.memory_space<vmem>> -> memref<16384xf32, #tpu.memory_space<vmem>>
    tpu.wait_dma2 semaphore(%arg13 : memref<!tpu.dma_semaphore, #tpu.memory_space<semaphore_mem>>) src(%dma_wait3A_50 : memref<16384xf32, #tpu.memory_space<vmem>>) dst(%dma_wait3A_47 : memref<16384xf32, #tpu.memory_space<hbm>>)
    return
  }
}

</mosaic_0001>

<sc_bundles>
// kernel: _spline_sc.3.cloned.1.call-start
scs
__scs_entry_jumppad:
0x0: {  	(pc) =	sbr.rel $0x88, $3  }
0x1: {  	(tag) =	ssettag $0x0;
	lr =	simm.s32 $0x1  }
0x2: {  	[smem:$0x3F9E] =	sst lr;
	_ =	strace $0xD0000000  }
0x3: {  	_ = 	snop  }
0x4: {  	_ = 	snop  }
0x5: {  	_ = 	snop  }
0x6: {  	_ = 	snop  }
0x7: {  	_ = 	snop  }
__scs_overlays_trampoline_lowered:
0x8: {  	[smem:$0x3FAD] =	sst s0  }
0x9: {  	[smem:$0x3FAE] =	sst s1  }
0xa: {  	[smem:$0x3FAF] =	sst s2  }
0xb: {  	[smem:$0x3FB0] =	sst s3  }
0xc: {  	[smem:$0x3FB1] =	sst s4  }
0xd: {  	[smem:$0x3FB2] =	sst s5  }
0xe: {  	[smem:$0x3FB3] =	sst s6  }
0xf: {  	[smem:$0x3FB4] =	sst s7  }
0x10: {  	[smem:$0x3FB5] =	sst s8  }
0x11: {  	[smem:$0x3FB6] =	sst s9;
	s0 =	simm.s32 @!p0 $0x0  }
0x12: {  	s1 =	sld [smem:$0x3F9C];
	s0 =	simm.s32 @p0 $0x1  }
0x13: {  	[smem:$0x3FB7] =	sst s0;
	s0 =	simm.s32 @!p1 $0x0  }
0x14: {  	s2 =	sld [smem:$0x3F9B];
	s0 =	simm.s32 @p1 $0x1  }
0x15: {  	[smem:$0x3FB8] =	sst s0;
	s0 =	simm.s32 @!p2 $0x0  }
0x16: {  	s3 =	sld [smem:$0x3FDB];
	s0 =	simm.s32 @p2 $0x1  }
0x17: {  	s4 =	simm.s32 $0x1BF5;
	[smem:$0x3FBA] =	sst s0  }
0x18: {  	s0 =	sld [smem:$0x3F9D];
	_ =	swait.ge [sflag:s4], $0x0  }
0x19: {  	s7 =	sld [smem:$0x3F9E]  }
0x1a: {  	s8 =	sadd.s32 $0xFFFFE003, lr  }
0x1b: {  	s9 =	sadd.s32 $0xFFFFFEF7, lr;
	s5 =	simm.s32 $0xFFFFFFFF;
	p2 =	slt.u32 s8, $0xFFFFF086  }
0x1c: {  	p1 =	slt.u32 s9, $0xF7A;
	s5 =	simm.s32 @!p2 $0x0  }
0x1d: {  	s5 =	simm.s32 @p1 $0x1;
	p0 =	seq.s32 s7, s2  }
0x1e: {  	s7 =	smul.u32 @!p0 $0xF7A, s2;
	p2 =	seq.s32 @!p0 s5, $0x0  }
0x1f: {  	s9 =	smul.u32 $0xF7A, s1;
	s8 =	simm.s32 @!p0 $0x1BF5;
	p2 =	por !p2, p0  }
0x20: {  	[sflag:s8] =	ssyncset.s32 @!p0 $0xFFFFF086;
	s6 =	sadd.s32 @!p0 s3, s7;
	s7 =	simm.s32 @!p0 $0x108  }
0x21: {  	s3 =	sadd.s32 s3, s9;
	s6 =	sadd.s32 @!p0 $0x88, s6;
	s7 =	simm.s32 @p2 $0x1082  }
0x22: {  	[simem:s7], [sflag:s8] =	dma.local @!p0 [hbm:s6], $0xF7A  }
0x23: {  	s9 =	sor.u32 $0xD0000000, s2;
	s6 =	simm.s32 $0x108;
	_ =	swait.ge @!p0 [sflag:s8], $0x0  }
0x24: {  	s3 =	sadd.s32 $0x88, s3;
	s6 =	simm.s32 @!p1 $0x1082;
	[sflag:s4] =	ssyncset.s32 $0xFFFFF086  }
0x25: {  	[simem:s6], [sflag:s4] =	dma.local [hbm:s3], $0xF7A  }
0x26: {  	[smem:$0x3F9E] =	sst s1;
	(tag) =	ssettag s2;
	_ =	strace s9  }
0x27: {  	s1 =	sld [smem:$0x3FAE]  }
0x28: {  	s2 =	sld [smem:$0x3FAF]  }
0x29: {  	s4 =	sld [smem:$0x3FB1]  }
0x2a: {  	p0 =	seq.s32 s5, $0x0;
	s5 =	sld [smem:$0x3FB2]  }
0x2b: {  	s6 =	sld [smem:$0x3FB3]  }
0x2c: {  	s7 =	sld [smem:$0x3FB4]  }
0x2d: {  	s3 =	simm.s32 $0x108;
	s8 =	sld [smem:$0x3FB5]  }
0x2e: {  	s3 =	simm.s32 @!p0 $0x1082;
	s9 =	sld [smem:$0x3FB6]  }
0x2f: {  	lr =	sadd.s32 s0, s3;
	s0 =	sld [smem:$0x3FAD]  }
0x30: {  	s3 =	sld [smem:$0x3FB0]  }
0x31: {  	[smem:$0x3FB9] =	sst s10  }
0x32: {  	s10 =	sld [smem:$0x3FB7];
	_ =	sdelay $0x3  }
0x33: {  	p0 =	seq.s32 s10, $0x1;
	s10 =	sld [smem:$0x3FB9];
	_ =	sdelay $0x3  }
0x34: {  	[smem:$0x3FB9] =	sst s10  }
0x35: {  	s10 =	sld [smem:$0x3FB8];
	_ =	sdelay $0x3  }
0x36: {  	p1 =	seq.s32 s10, $0x1;
	s10 =	sld [smem:$0x3FB9];
	_ =	sdelay $0x3  }
0x37: {  	[smem:$0x3FB9] =	sst s10  }
0x38: {  	s10 =	sld [smem:$0x3FBA]  }
0x39: {  	_ = 	snop;
	(pc) =	sbr.ind lr, $3  }
0x3a: {  	_ = 	snop  }
0x3b: {  	_ = 	snop  }
0x3c: {  	p2 =	seq.s32 s10, $0x1;
	s10 =	sld [smem:$0x3FB9]  }
0x3d: {  	_ =	shalt  }
0x3e: {  	_ =	shalt  }
0x3f: {  	_ =	shalt  }
0x40: {  	_ =	shalt  }
0x41: {  	_ =	shalt  }
0x42: {  	_ =	shalt  }
0x43: {  	_ =	shalt  }
0x44: {  	_ =	shalt  }
0x45: {  	_ =	shalt  }
0x46: {  	_ =	shalt  }
0x47: {  	_ =	shalt  }
0x48: {  	_ =	shalt  }
0x49: {  	_ =	shalt  }
0x4a: {  	_ =	shalt  }
0x4b: {  	_ =	shalt  }
0x4c: {  	_ =	shalt  }
0x4d: {  	_ =	shalt  }
0x4e: {  	_ =	shalt  }
0x4f: {  	_ =	shalt  }
0x50: {  	_ =	shalt  }
0x51: {  	_ =	shalt  }
0x52: {  	_ =	shalt  }
0x53: {  	_ =	shalt  }
0x54: {  	_ =	shalt  }
0x55: {  	_ =	shalt  }
0x56: {  	_ =	shalt  }
0x57: {  	_ =	shalt  }
0x58: {  	_ =	shalt  }
0x59: {  	_ =	shalt  }
0x5a: {  	_ =	shalt  }
0x5b: {  	_ =	shalt  }
0x5c: {  	_ =	shalt  }
0x5d: {  	_ =	shalt  }
0x5e: {  	_ =	shalt  }
0x5f: {  	_ =	shalt  }
0x60: {  	_ =	shalt  }
0x61: {  	_ =	shalt  }
0x62: {  	_ =	shalt  }
0x63: {  	_ =	shalt  }
0x64: {  	_ =	shalt  }
0x65: {  	_ =	shalt  }
0x66: {  	_ =	shalt  }
0x67: {  	_ =	shalt  }
0x68: {  	_ =	shalt  }
0x69: {  	_ =	shalt  }
0x6a: {  	_ =	shalt  }
0x6b: {  	_ =	shalt  }
0x6c: {  	_ =	shalt  }
0x6d: {  	_ =	shalt  }
0x6e: {  	_ =	shalt  }
0x6f: {  	_ =	shalt  }
0x70: {  	_ =	shalt  }
0x71: {  	_ =	shalt  }
0x72: {  	_ =	shalt  }
0x73: {  	_ =	shalt  }
0x74: {  	_ =	shalt  }
0x75: {  	_ =	shalt  }
0x76: {  	_ =	shalt  }
0x77: {  	_ =	shalt  }
0x78: {  	_ =	shalt  }
0x79: {  	_ =	shalt  }
0x7a: {  	_ =	shalt  }
0x7b: {  	_ =	shalt  }
0x7c: {  	_ =	shalt  }
0x7d: {  	_ =	shalt  }
0x7e: {  	_ =	shalt  }
0x7f: {  	_ =	shalt  }
0x80: {  	_ =	shalt  }
0x81: {  	_ =	shalt  }
0x82: {  	_ =	shalt  }
0x83: {  	_ =	shalt  }
0x84: {  	_ =	shalt  }
0x85: {  	_ =	shalt  }
0x86: {  	_ =	shalt  }
0x87: {  	_ =	shalt  }
.Lfunc_end0:
.L_simem_size_0:
called_computation_lowered:
.L_overlay_start_0:
0x88: {  	s2 =	sld [smem:$0x3FD9]  }
0x89: {  	s3 =	sld [smem:$0x3FFE];
	_ =	sdelay $0x1  }
0x8a: {  	s1 =	srdreg.scid  }
0x8b: {  	s0 =	sand.u32 $0x1, s1  }
0x8c: {  	s18 =	sshll.u32 s0, $0xA;
	s2 =	sadd.s32 s3, s2  }
0x8d: {  	s2 =	sadd.s32 s2, s18  }
0x8e: {  	[smem:$0x3FC5] =	sst s2  }
0x8f: {  	_ = 	snop  }
0x90: {  	s2 =	sld [smem:$0x3FC9]  }
0x91: {  	s19 =	sld [smem:$0x3FC8]  }
0x92: {  	s4 =	sld [smem:$0x3FC7]  }
0x93: {  	s5 =	sld [smem:$0x3FD0];
	(tm) =	ssettm $0x1  }
0x94: {  	s6 =	sld [smem:$0x3FFB];
	_ =	sdelay $0x3  }
0x95: {  	_ =	strace s6  }
0x96: {  	s6 =	sld [smem:$0x3FFC];
	_ =	sdelay $0x3  }
0x97: {  	_ =	strace s6  }
0x98: {  	s6 =	sld [smem:$0x3FFD];
	_ =	sdelay $0x3  }
0x99: {  	_ =	strace s6  }
0x9a: {  	_ =	strace $0x8FFFFFFF  }
0x9b: {  	s20 =	sld [smem:$0x3FDB];
	_ =	sdelay $0x1  }
0x9c: {  	s7 =	simm.s32 $_scs_section_size  }
0x9d: {  	s8 =	simm.s32 $_size__tile_overlayer_lowered;
	s9 =	simm.s32 $_tile_overlayer_lowered  }
0x9e: {  	s23 =	simm.s32 $0x1BFF;
	s22 =	sshll.u32 s9, $0x1;
	s6 =	sadd.s32 s7, s20  }
0x9f: {  	s10 =	simm.s32 $0x0;
	s21 =	sshll.u32 s8, $0x1;
	s8 =	sadd.s32 s22, s6  }
0xa0: {  	[timem:s10], [sflag:s23] =	dma.local [hbm:s8], s21  }
0xa1: {  	_ =	swait.ge [sflag:s23], s21  }
0xa2: {  	s7 =	ssub.s32 $0x0, s21;
	[sflag:s23] =	ssyncset.done $0x0  }
0xa3: {  	[sflag:s23] =	ssyncadd.s32 s7;
	_ =	sdelay $0x1  }
0xa4: {  	s24 =	simm.s32 $0x1B8B  }
0xa5: {  	_ =	swait.ge [sflag:s24], $0x1  }
0xa6: {  	[sflag:s24] =	ssyncset.done $0x0  }
0xa7: {  	s25 =	simm.s32 $0x1B8E;
	[sflag:s24] =	ssyncadd.s32 $0xFFFFFFFF  }
0xa8: {  	s26 =	simm.s32 $execute0_lowered;
	[smem:$0x3FD2] =	sst s25  }
0xa9: {  	s7 =	sshll.u32 s26, $0x1;
	_ =	strace $0x80000046;
	[dreg:$0x1] =	wrdreg $0xFFFFFFFF  }
0xaa: {  	s28 =	simm.s32 $_size_execute0_lowered;
	s6 =	sadd.s32 s6, s7;
	[dreg:$0x0] =	wrdreg $0x0  }
0xab: {  	s7 =	sshll.u32 s28, $0x1;
	[dreg:$0x2] =	wrdreg s6  }
0xac: {  	[dreg:$0x3] =	wrdreg s7  }
0xad: {  	[dreg:$0x4] =	wrdreg $0xC0  }
0xae: {  	_ =	task [dreg:s10], $0x5FFFF  }
0xaf: {  	[dreg:$0x1] =	wrdreg $0xFFFFFFFF  }
0xb0: {  	[dreg:$0x0] =	wrdreg $0x60  }
0xb1: {  	[dreg:$0x2] =	wrdreg s2  }
0xb2: {  	[dreg:$0x3] =	wrdreg s19  }
0xb3: {  	[dreg:$0x4] =	wrdreg s4  }
0xb4: {  	[dreg:$0x5] =	wrdreg s5  }
0xb5: {  	[dreg:$0x6] =	wrdreg $0x9  }
0xb6: {  	_ =	task.clear_ibuf [dreg:s10], $0x7FFFF;
	_ =	strace $0x90000046  }
0xb7: {  	s29 =	simm.s32 $0x9;
	_ =	strace $0x80000048  }
0xb8: {  	_ =	swait.ge [sflag:s29], $0x1  }
0xb9: {  	[sflag:s29] =	ssyncadd.s32 $0xFFFFFFFF  }
0xba: {  	_ =	strace $0x90000048  }
0xbb: {  	_ =	sfence  }
0xbc: {  	s30 =	sld [smem:$0x0];
	_ =	sdelay $0x2  }
0xbd: {  	s31 =	sshll.u32 s1, $0xD;
	s1 =	sshrl.u32 s1, $0x2  }
0xbe: {  	s3 =	sand.u32 $0x4000, s31;
	s1 =	sadd.s32 s1, s30  }
0xbf: {  	s0 =	sor.u32 s3, s0;
	s1 =	sshll.u32 s1, $0x11  }
0xc0: {  	s0 =	sor.u32 s1, s0  }
0xc1: {  	s0 =	sadd.s32 $0x8F2B, s0  }
0xc2: {  	[sflag:s0] =	ssyncadd.remote.s32 $0x1  }
0xc3: {  	_ =	sfence.sel $0xFFFF  }
0xc4: {  	[dreg:$0x0] =	wrdreg $0xFFFFFFFF;
	(pc) =	sbr.abs _section_cstart, $3  }
0xc5: {  	[dreg:$0x1] =	wrdreg $0xFFFFFFFF  }
0xc6: {  	_ =	task.clear_ibuf [dreg:s10], $0x2FFFF;
	_ =	strace $0x9FFFFFFF  }
0xc7: {  	(tm) =	ssettm $0x7FFFFFFF  }
tec
execute0_lowered:
.L_overlay_start_1:
0x0: {  	(tag) =	ssettag $0x1  }
0x1: {  	s0 =	srdreg.scid  }
0x2: {  	s3 =	rddreg [dreg:$0x2];
	s1 =	stileid.u32  }
0x3: {  	s5 =	rddreg [dreg:$0x3];
	s6 =	simm.s32 $0x0;
	s15 =	simm.s32 $0x1  }
0x4: {  	s16 =	simm.s32 $0x2;
	s17 =	simm.s32 $0x4;
	s0 =	sand.u32 $0x1, s0  }
0x5: {  	s1 =	sshll.u32 s1, $0x15;
	[smem:$0x7FF] =	sst s6;
	s2 =	sshll.u32 s0, $0x14  }
.Ltmp0:
0x6: {  	s0 =	ssub.s32 $0x2, s0;
	s7 =	sor.u32 s2, s1;
	(pc) =	sbr.rel .LBB2_1-.Ltmp0, $4  }
0x7: {  	_ =	strace $0x80000047;
	s30 =	sshrl.u32 s0, $0x1;
	s1 =	sshrl.u32 s7, $0x3  }
0x8: {  	s0 =	ssub.s32 s0, s30;
	s31 =	sor.u32 $0x8000, s7;
	s11 =	sor.u32 $0xC000, s7  }
0x9: {  	s8 =	sadd.s32 s3, s1;
	[dreg:$0x5] =	wrdreg s31;
	s0 =	smax.u32 s0, $0x1  }
0xa: {  	v0 =	vlaneseq.u32;
	s1 =	simm.s32 $0x0;
	s9 =	sadd.s32 $0x800, s8;
	[dreg:$0x6] =	wrdreg s0  }
.LBB2_24:
0xb: {  	s0 =	simm.s32 $0x3  }
0xc: {  	_ =	swait.ge [sflag:s0], $0x4000  }
0xd: {  	[sflag:s0] =	ssyncset.done $0x0  }
0xe: {  	[sflag:s0] =	ssyncadd.s32 $0xFFFFC000  }
0xf: {  	_ =	swait.ge [sflag:s17], $0x4000  }
0x10: {  	s1 =	rddreg [dreg:$0x7]  }
0x11: {  	s31 =	rddreg [dreg:$0x6];
	s1 =	sadd.s32 $0x1, s1  }
0x12: {  	p0 =	sne.s32 s1, s31  }
.Ltmp1:
0x13: {  	_ = 	snop;
	(pc) =	sbr.rel @!p0 .LBB2_25-.Ltmp1, $3  }
0x14: {  	_ =	sdelay $0x1  }
0x15: {  	[sflag:s17] =	ssyncset.done $0x0  }
0x16: {  	[sflag:s17] =	ssyncadd.s32 $0xFFFFC000  }
.LBB2_1:
0x17: {  	[dreg:$0x7] =	wrdreg s1  }
0x18: {  	s0 =	rddreg [dreg:$0x0];
	s30 =	simm.s32 $0x5  }
0x19: {  	[tilespmem:s6], [sflag:$0x5] =	stream.linear.gather [hbm4b:s0+s6], $0x4000, $0x38;
	[tilespmem:$0x18000] =	vst v63  }
0x1a: {  	_ =	swait.ge [sflag:s30], $0x4000  }
0x1b: {  	[sflag:s30] =	ssyncset.done $0x0  }
0x1c: {  	[sflag:s30] =	ssyncadd.s32 $0xFFFFC000  }
0x1d: {  	s2 =	simm.s32 $0x4000;
	s31 =	rddreg [dreg:$0x1]  }
0x1e: {  	[tilespmem:s2], [sflag:$0x5] =	stream.linear.gather [hbm4b:s31+s6], $0x4000, $0x38;
	[tilespmem:$0x18000] =	vst v63  }
0x1f: {  	_ =	swait.ge [sflag:s30], $0x4000  }
0x20: {  	s1 =	simm.s32 $0x10;
	s3 =	sadd.s32 $0x0, s8;
	[sflag:s30] =	ssyncset.done $0x0  }
0x21: {  	s0 =	simm.s32 $0x8000;
	s2 =	simm.s32 $0x8100;
	[sflag:s30] =	ssyncadd.s32 $0xFFFFC000  }
.LBB2_2:
0x22: {  	[tilespmem:s0], [sflag:$0x1] =	stream.linear.gather [hbm4b:s3+s6], $0x80, $0x38;
	[tilespmem:$0x18000] =	vst v63  }
0x23: {  	s3 =	smov.u32 s1;
	s0 =	smov.u32 s2;
	p0 =	sne.s32 s1, $0x7F0  }
.Ltmp2:
0x24: {  	s1 =	sadd.s32 $0x10, s1;
	(pc) =	sbr.rel @p0 .LBB2_2-.Ltmp2, $2  }
0x25: {  	_ =	sdelay $0x2  }
0x26: {  	s2 =	sadd.s32 $0x100, s2;
	s3 =	sadd.s32 s3, s8  }
0x27: {  	[tilespmem:s0], [sflag:$0x1] =	stream.linear.gather [hbm4b:s3+s6], $0x80, $0x38;
	[tilespmem:$0x18000] =	vst v63  }
0x28: {  	s20 =	simm.s32 $0x0;
	s0 =	simm.s32 $0x8080  }
0x29: {  	s1 =	simm.s32 $0x10;
	s3 =	sadd.s32 $0x0, s9;
	s2 =	simm.s32 $0x8180  }
.LBB2_4:
0x2a: {  	[tilespmem:s0], [sflag:$0x2] =	stream.linear.gather [hbm4b:s3+s20], $0x80, $0x38;
	[tilespmem:$0x18000] =	vst v63  }
0x2b: {  	s3 =	smov.u32 s1;
	s0 =	smov.u32 s2;
	p0 =	sne.s32 s1, $0x7F0  }
.Ltmp3:
0x2c: {  	s1 =	sadd.s32 $0x10, s1;
	(pc) =	sbr.rel @p0 .LBB2_4-.Ltmp3, $2  }
0x2d: {  	_ =	sdelay $0x2  }
0x2e: {  	s2 =	sadd.s32 $0x100, s2;
	s3 =	sadd.s32 s3, s9  }
0x2f: {  	[tilespmem:s0], [sflag:$0x2] =	stream.linear.gather [hbm4b:s3+s20], $0x80, $0x38;
	[tilespmem:$0x18000] =	vst v63  }
.LBB2_6:
0x30: {  	_ =	swait.ge [sflag:s15], $0x4000  }
0x31: {  	p0 =	seq.s32 s20, $0x0;
	[sflag:s15] =	ssyncset.done $0x0  }
0x32: {  	s0 =	simm.s32 @!p0 $0x3;
	[sflag:s15] =	ssyncadd.s32 $0xFFFFC000  }
0x33: {  	_ =	swait.ge @!p0 [sflag:s0], $0x4000  }
0x34: {  	[sflag:s0] =	ssyncset.done @!p0 $0x0  }
0x35: {  	s19 =	simm.s32 $0x8040;
	[sflag:s0] =	ssyncadd.s32 @!p0 $0xFFFFC000  }
0x36: {  	v1 =	vld [tilespmem:s19+$0x30]  }
0x37: {  	v2 =	vld [tilespmem:s19+$0xFFFFFFC0]  }
0x38: {  	v3 =	vld [tilespmem:s19+$0xFFFFFFD0]  }
0x39: {  	v4 =	vld [tilespmem:s19+$0xFFFFFFE0]  }
0x3a: {  	v5 =	vld [tilespmem:s19+$0xFFFFFFF0]  }
0x3b: {  	v6 =	vld [tilespmem:s19+$0x0]  }
0x3c: {  	v7 =	vld [tilespmem:s19+$0x10]  }
0x3d: {  	v8 =	vld [tilespmem:s19+$0x20]  }
0x3e: {  	v1 =	vmul.f32 $2.142857070e+00, v1  }
0x3f: {  	v2 =	vmul.f32 $2.142857070e+00, v2;
	v3 =	vmul.f32 $2.142857070e+00, v3  }
0x40: {  	v4 =	vmul.f32 $2.142857070e+00, v4;
	v5 =	vmul.f32 $2.142857070e+00, v5;
	v1 =	vadd.f32 $7.500000000e+00, v1  }
0x41: {  	v6 =	vmul.f32 $2.142857070e+00, v6;
	v7 =	vmul.f32 $2.142857070e+00, v7  }
0x42: {  	v8 =	vmul.f32 $2.142857070e+00, v8;
	v2 =	vadd.f32 $7.500000000e+00, v2;
	v1 =	vmax.f32 v1, $0.0e+00  }
0x43: {  	v3 =	vadd.f32 $7.500000000e+00, v3;
	v6 =	vadd.f32 $7.500000000e+00, v6;
	v9 =	vmin.f32 v1, $1.500000000e+01  }
0x44: {  	v1 =	vadd.f32 $7.500000000e+00, v4;
	v4 =	vadd.f32 $7.500000000e+00, v5;
	v5 =	vtrunc.f32 v9  }
0x45: {  	v10 =	vadd.f32 $7.500000000e+00, v7;
	v8 =	vadd.f32 $7.500000000e+00, v8;
	v5 =	vcvt.f32.s32 v5  }
0x46: {  	v2 =	vmax.f32 v2, $0.0e+00;
	v3 =	vmax.f32 v3, $0.0e+00;
	v12 =	vmax.f32 v6, $0.0e+00  }
0x47: {  	s22 =	simm.s32 $0x8140;
	v10 =	vmax.f32 v10, $0.0e+00;
	v6 =	vmin.f32 v3, $1.500000000e+01;
	v5 =	vshll.u32 v5, $0xA  }
0x48: {  	v18 =	vld [tilespmem:s22+$0x30];
	v8 =	vmax.f32 v8, $0.0e+00;
	v13 =	vtrunc.f32 v6;
	v11 =	vor.u32 v0, v5  }
0x49: {  	v7 =	vmin.f32 v2, $1.500000000e+01;
	v2 =	vmin.f32 v12, $1.500000000e+01;
	v13 =	vcvt.f32.s32 v13  }
0x4a: {  	s21 =	simm.s32 $0x0;
	v3 =	vmin.f32 v10, $1.500000000e+01;
	v15 =	vtrunc.f32 v2;
	v1 =	vmax.f32 v1, $0.0e+00  }
0x4b: {  	s0 =	sand.u32 $0x380, s21;
	v4 =	vmax.f32 v4, $0.0e+00;
	v15 =	vcvt.f32.s32 v15;
	v13 =	vshll.u32 v13, $0xA  }
0x4c: {  	s1 =	sor.u32 $0x4070, s0;
	v5 =	vmin.f32 v1, $1.500000000e+01;
	v1 =	vmin.f32 v4, $1.500000000e+01;
	v4 =	vtrunc.f32 v7  }
0x4d: {  	v21 =	vor.u32 v0, v13;
	v13 =	vmul.f32 $2.142857070e+00, v18;
	v12 =	vtrunc.f32 v5;
	v10 =	vld.idx.msk [tilespmem:v11+s1+$0x0], $0xffff  }
0x4e: {  	v14 =	vtrunc.f32 v1;
	v16 =	vcvt.f32.s32 v4;
	v4 =	vmin.f32 v8, $1.500000000e+01  }
0x4f: {  	v19 =	vld [tilespmem:s22+$0xFFFFFFC0];
	v8 =	vtrunc.f32 v3;
	v17 =	vtrunc.f32 v4  }
0x50: {  	v20 =	vld [tilespmem:s22+$0xFFFFFFD0];
	v12 =	vcvt.f32.s32 v12;
	v14 =	vcvt.f32.s32 v14  }
0x51: {  	v18 =	vld [tilespmem:s22+$0x20];
	v8 =	vcvt.f32.s32 v8;
	v17 =	vcvt.f32.s32 v17  }
0x52: {  	v13 =	vadd.f32 $7.500000000e+00, v13;
	v16 =	vshll.u32 v16, $0xA;
	v25 =	vmul.f32 v9, v10;
	v10 =	vld [tilespmem:s22+$0xFFFFFFE0]  }
0x53: {  	v12 =	vshll.u32 v12, $0xA;
	v9 =	vshll.u32 v15, $0xA;
	v15 =	vshll.u32 v17, $0xA;
	v17 =	vld [tilespmem:s22+$0xFFFFFFF0]  }
0x54: {  	v14 =	vshll.u32 v14, $0xA;
	v8 =	vshll.u32 v8, $0xA;
	v16 =	vor.u32 v0, v16  }
0x55: {  	v13 =	vmax.f32 v13, $0.0e+00;
	v24 =	vor.u32 v0, v12;
	v28 =	vor.u32 v0, v14;
	v14 =	vld [tilespmem:s22+$0x10]  }
0x56: {  	v12 =	vld [tilespmem:s22+$0x0];
	v30 =	vor.u32 v0, v8;
	v29 =	vor.u32 v0, v9;
	v9 =	vmul.f32 $2.142857070e+00, v19  }
0x57: {  	s23 =	sor.u32 $0x70, s0;
	v8 =	vmul.f32 $2.142857070e+00, v20;
	v18 =	vmul.f32 $2.142857070e+00, v18;
	v33 =	vor.u32 v0, v15  }
0x58: {  	s12 =	sor.u32 $0x10, s0;
	v31 =	vld.idx.msk [tilespmem:v11+s23+$0x0], $0xffff;
	v15 =	vadd.f32 $7.500000000e+00, v9;
	v9 =	vmul.f32 $2.142857070e+00, v10;
	v10 =	vmul.f32 $2.142857070e+00, v17  }
0x59: {  	s2 =	sor.u32 $0x4000, s0;
	v38 =	vmin.f32 v13, $1.500000000e+01;
	v27 =	vld.idx.msk [tilespmem:v21+s12+$0x0], $0xffff;
	v11 =	vadd.f32 $7.500000000e+00, v8;
	v18 =	vadd.f32 $7.500000000e+00, v18  }
0x5a: {  	s25 =	sor.u32 $0x4020, s0;
	v8 =	vld.idx.msk [tilespmem:v16+s2+$0x0], $0xffff;
	v13 =	vmul.f32 $2.142857070e+00, v14;
	v19 =	vadd.f32 $7.500000000e+00, v10;
	v10 =	vtrunc.f32 v38  }
0x5b: {  	s4 =	sor.u32 $0x4050, s0;
	v23 =	vmax.f32 v11, $0.0e+00;
	v12 =	vmul.f32 $2.142857070e+00, v12;
	v14 =	vld.idx.msk [tilespmem:v24+s25+$0x0], $0xffff;
	v22 =	vcvt.f32.s32 v10  }
0x5c: {  	s14 =	sor.u32 $0x50, s0;
	v35 =	vmax.f32 v18, $0.0e+00;
	v23 =	vmin.f32 v23, $1.500000000e+01;
	v26 =	vadd.f32 $7.500000000e+00, v13;
	v13 =	vld.idx.msk [tilespmem:v30+s4+$0x0], $0xffff  }
0x5d: {  	s3 =	sor.u32 $0x4040, s0;
	v62 =	vtrunc.f32 v23;
	v20 =	vadd.f32 $7.500000000e+00, v12;
	v30 =	vld.idx.msk [tilespmem:v30+s14+$0x0], $0xffff;
	v11 =	vshll.u32 v22, $0xA  }
0x5e: {  	v42 =	vadd.f32 v25, v31;
	v15 =	vmax.f32 v15, $0.0e+00;
	v12 =	vld.idx.msk [tilespmem:v29+s3+$0x0], $0xffff;
	v34 =	vor.u32 v0, v11  }
0x5f: {  	s30 =	simm.s32 $0x8;
	s21 =	sshll.u32 s20, $0xF;
	s26 =	sor.u32 $0x4030, s0;
	v32 =	vmax.f32 v20, $0.0e+00;
	v20 =	vmin.f32 v15, $1.500000000e+01;
	v15 =	vmax.f32 v26, $0.0e+00;
	v26 =	vld.idx.msk [tilespmem:v16+s0+$0x0], $0xffff  }
0x60: {  	s24 =	sor.u32 $0x4010, s0;
	s10 =	sor.u32 $0x4060, s0;
	v17 =	vadd.f32 $7.500000000e+00, v9;
	v16 =	vtrunc.f32 v20;
	v18 =	vmin.f32 v15, $1.500000000e+01;
	v10 =	vld.idx.msk [tilespmem:v28+s26+$0x0], $0xffff;
	s26 =	simm.s32 $0x80  }
0x61: {  	s13 =	sor.u32 $0x20, s0;
	s18 =	sor.u32 $0x40, s0;
	v9 =	vld.idx.msk [tilespmem:v21+s24+$0x0], $0xffff;
	v15 =	vmin.f32 v35, $1.500000000e+01;
	v40 =	vtrunc.f32 v18;
	v16 =	vcvt.f32.s32 v16;
	s24 =	sand.u32 $0x380, s26  }
0x62: {  	s28 =	sor.u32 $0x60, s0;
	s23 =	simm.s32 $0x10040;
	v25 =	vld.idx.msk [tilespmem:v29+s18+$0x0], $0xffff;
	v41 =	vtrunc.f32 v15;
	v17 =	vmax.f32 v17, $0.0e+00;
	v19 =	vmax.f32 v19, $0.0e+00;
	s25 =	sor.u32 $0x4070, s24  }
0x63: {  	s22 =	sor.u32 s7, s21;
	s14 =	simm.s32 $0x8240;
	s3 =	sor.u32 $0x30, s0;
	v35 =	vcvt.f32.s32 v40;
	v22 =	vmin.f32 v17, $1.500000000e+01;
	v17 =	vmin.f32 v19, $1.500000000e+01;
	v39 =	vld.idx.msk [tilespmem:v34+s25+$0x0], $0xffff  }
0x64: {  	v21 =	vld.idx.msk [tilespmem:v24+s13+$0x0], $0xffff;
	v19 =	vmin.f32 v32, $1.500000000e+01;
	s4 =	sor.u32 $0x4000, s24;
	s19 =	sor.u32 $0x4010, s24;
	v32 =	vcvt.f32.s32 v62;
	v36 =	vtrunc.f32 v22;
	s25 =	sor.u32 $0x70, s24  }
0x65: {  	s13 =	sor.u32 $0x4030, s24;
	s18 =	sor.u32 $0x4040, s24;
	s12 =	sor.u32 $0x4050, s24;
	v37 =	vtrunc.f32 v17;
	v63 =	vtrunc.f32 v19;
	v31 =	vld.idx.msk [tilespmem:v34+s25+$0x0], $0xffff  }
0x66: {  	v24 =	vld.idx.msk [tilespmem:v28+s3+$0x0], $0xffff;
	s2 =	sor.u32 $0x4060, s24;
	s1 =	sor.u32 $0x10, s24;
	s0 =	sor.u32 $0x20, s24;
	v29 =	vshll.u32 v16, $0xA;
	v36 =	vcvt.f32.s32 v36;
	v43 =	vcvt.f32.s32 v37  }
0x67: {  	s3 =	sor.u32 $0x30, s24;
	s31 =	sor.u32 $0x40, s24;
	s29 =	sor.u32 $0x50, s24;
	v16 =	vld.idx.msk [tilespmem:v33+s28+$0x0], $0xffff;
	v28 =	vcvt.f32.s32 v63;
	v32 =	vshll.u32 v32, $0xA;
	v34 =	vcvt.f32.s32 v41  }
0x68: {  	[tilespmem:s23+$0x30] =	vst v42;
	s28 =	simm.s32 $0x10040;
	v11 =	vld.idx.msk [tilespmem:v33+s10+$0x0], $0xffff;
	s10 =	sor.u32 $0x4020, s24;
	v37 =	vshll.u32 v36, $0xA;
	v36 =	vshll.u32 v43, $0xA;
	s25 =	sor.u32 $0x60, s24;
	v33 =	vmul.f32 v38, v39  }
.LBB2_7:
0x69: {  	v38 =	vld [tilespmem:s14+$0x30];
	s30 =	sadd.s32 $0x8, s30;
	v39 =	vshll.u32 v28, $0xA;
	v35 =	vshll.u32 v35, $0xA;
	v34 =	vshll.u32 v34, $0xA;
	v28 =	vmovc v30  }
0x6a: {  	v40 =	vor.u32 v0, v29;
	v32 =	vor.u32 v0, v32;
	v30 =	vld [tilespmem:s14+$0xFFFFFFC0];
	p1 =	slt.u32 s30, $0x3F8;
	v31 =	vadd.f32 v33, v31  }
0x6b: {  	v37 =	vor.u32 v0, v37;
	v36 =	vor.u32 v0, v36;
	s23 =	sadd.s32 $0x100, s23;
	v39 =	vor.u32 v0, v39;
	v33 =	vld [tilespmem:s14+$0xFFFFFFD0]  }
0x6c: {  	v8 =	vmul.f32 v7, v8;
	v35 =	vor.u32 v0, v35;
	v29 =	vor.u32 v0, v34;
	v41 =	vld [tilespmem:s14+$0xFFFFFFE0];
	[tilespmem:s23+$0x30] =	vst v31  }
0x6d: {  	v9 =	vmul.f32 v6, v9;
	v7 =	vmovc v20;
	v6 =	vmovc v23;
	v34 =	vmul.f32 v5, v14;
	v5 =	vmov v22;
	v31 =	vld [tilespmem:s14+$0xFFFFFFF0]  }
0x6e: {  	v8 =	vadd.f32 v8, v26;
	v14 =	vld [tilespmem:s14+$0x0];
	v20 =	vmul.f32 $2.142857070e+00, v38;
	v38 =	vmul.f32 v1, v10;
	v1 =	vmovc v17  }
0x6f: {  	v42 =	vmul.f32 v2, v12;
	v2 =	vmovc v19;
	v9 =	vadd.f32 v9, v27;
	v10 =	vmul.f32 $2.142857070e+00, v30;
	v17 =	vld [tilespmem:s14+$0x10]  }
0x70: {  	v12 =	vmul.f32 $2.142857070e+00, v33;
	v19 =	vld [tilespmem:s14+$0x20];
	v20 =	vadd.f32 $7.500000000e+00, v20;
	[tilespmem:s28+$0xFFFFFFC0] =	vst v8;
	v33 =	vmul.f32 v3, v13;
	v3 =	vmovc v18  }
0x71: {  	v13 =	vadd.f32 $7.500000000e+00, v10;
	v10 =	vmul.f32 $2.142857070e+00, v41;
	v8 =	vld.idx.msk [tilespmem:v40+s4+$0x0], $0xffff;
	[tilespmem:s28+$0xFFFFFFD0] =	vst v9;
	v41 =	vmul.f32 v4, v11;
	v4 =	vmovc v15  }
0x72: {  	v11 =	vadd.f32 $7.500000000e+00, v12;
	v12 =	vmul.f32 $2.142857070e+00, v31;
	v15 =	vmax.f32 v20, $0.0e+00;
	v9 =	vld.idx.msk [tilespmem:v32+s19+$0x0], $0xffff  }
0x73: {  	v18 =	vadd.f32 $7.500000000e+00, v10;
	v20 =	vmul.f32 $2.142857070e+00, v14;
	v43 =	vmin.f32 v15, $1.500000000e+01;
	v14 =	vld.idx.msk [tilespmem:v37+s10+$0x0], $0xffff  }
0x74: {  	v15 =	vadd.f32 $7.500000000e+00, v12;
	v17 =	vmul.f32 $2.142857070e+00, v17;
	v12 =	vtrunc.f32 v43;
	v10 =	vld.idx.msk [tilespmem:v36+s13+$0x0], $0xffff  }
0x75: {  	v20 =	vadd.f32 $7.500000000e+00, v20;
	v19 =	vmul.f32 $2.142857070e+00, v19;
	v22 =	vcvt.f32.s32 v12;
	v12 =	vld.idx.msk [tilespmem:v39+s18+$0x0], $0xffff  }
0x76: {  	v23 =	vmax.f32 v13, $0.0e+00;
	v30 =	vmax.f32 v11, $0.0e+00;
	v17 =	vadd.f32 $7.500000000e+00, v17;
	v13 =	vld.idx.msk [tilespmem:v35+s12+$0x0], $0xffff  }
0x77: {  	v18 =	vmax.f32 v18, $0.0e+00;
	v19 =	vadd.f32 $7.500000000e+00, v19;
	v22 =	vshll.u32 v22, $0xA;
	v11 =	vld.idx.msk [tilespmem:v29+s2+$0x0], $0xffff  }
0x78: {  	v15 =	vmax.f32 v15, $0.0e+00;
	v31 =	vmax.f32 v20, $0.0e+00;
	v44 =	vor.u32 v0, v22;
	v26 =	vld.idx.msk [tilespmem:v40+s24+$0x0], $0xffff  }
0x79: {  	s26 =	sadd.s32 $0x80, s26;
	v20 =	vmin.f32 v23, $1.500000000e+01;
	v40 =	vmax.f32 v17, $0.0e+00;
	v45 =	vmax.f32 v19, $0.0e+00;
	v27 =	vld.idx.msk [tilespmem:v32+s1+$0x0], $0xffff  }
0x7a: {  	v23 =	vmin.f32 v30, $1.500000000e+01;
	v22 =	vmin.f32 v18, $1.500000000e+01;
	v17 =	vmin.f32 v15, $1.500000000e+01;
	s24 =	sand.u32 $0x380, s26;
	v32 =	vld.idx.msk [tilespmem:v37+s0+$0x0], $0xffff  }
0x7b: {  	v19 =	vmin.f32 v31, $1.500000000e+01;
	v18 =	vmin.f32 v40, $1.500000000e+01;
	s4 =	sor.u32 $0x4000, s24;
	v15 =	vmin.f32 v45, $1.500000000e+01;
	v36 =	vld.idx.msk [tilespmem:v36+s3+$0x0], $0xffff  }
0x7c: {  	v21 =	vadd.f32 v34, v21;
	v31 =	vtrunc.f32 v20;
	s19 =	sor.u32 $0x4010, s24;
	s10 =	sor.u32 $0x4020, s24;
	v37 =	vtrunc.f32 v23;
	s0 =	sor.u32 $0x4070, s24;
	v39 =	vld.idx.msk [tilespmem:v39+s31+$0x0], $0xffff  }
0x7d: {  	v24 =	vadd.f32 v38, v24;
	v34 =	vtrunc.f32 v22;
	v40 =	vtrunc.f32 v17;
	s13 =	sor.u32 $0x4030, s24;
	s18 =	sor.u32 $0x4040, s24;
	s12 =	sor.u32 $0x4050, s24;
	v45 =	vld.idx.msk [tilespmem:v44+s0+$0x0], $0xffff  }
0x7e: {  	s2 =	sor.u32 $0x4060, s24;
	s1 =	sor.u32 $0x10, s24;
	v38 =	vtrunc.f32 v19;
	v46 =	vtrunc.f32 v18;
	s31 =	sor.u32 $0x70, s24;
	v30 =	vld.idx.msk [tilespmem:v35+s29+$0x0], $0xffff;
	[tilespmem:s28+$0xFFFFFFE0] =	vst v21;
	v35 =	vadd.f32 v42, v25  }
.Ltmp4:
0x7f: {  	v47 =	vcvt.f32.s32 v31;
	s3 =	sor.u32 $0x30, s24;
	s0 =	sor.u32 $0x20, s24;
	v42 =	vtrunc.f32 v15;
	v31 =	vld.idx.msk [tilespmem:v44+s31+$0x0], $0xffff;
	[tilespmem:s28+$0xFFFFFFF0] =	vst v24;
	v44 =	vadd.f32 v33, v28;
	(pc) =	sbr.rel @p1 .LBB2_7-.Ltmp4, $4  }
0x80: {  	v41 =	vadd.f32 v41, v16;
	s29 =	sor.u32 $0x50, s24;
	v33 =	vcvt.f32.s32 v37;
	v37 =	vcvt.f32.s32 v34;
	s31 =	sor.u32 $0x40, s24;
	v21 =	vmovc v32;
	[tilespmem:s28+$0x0] =	vst v35;
	v16 =	vld.idx.msk [tilespmem:v29+s25+$0x0], $0xffff;
	s25 =	sor.u32 $0x60, s24  }
0x81: {  	v40 =	vcvt.f32.s32 v40;
	v28 =	vcvt.f32.s32 v38;
	v29 =	vshll.u32 v47, $0xA;
	v24 =	vmovc v36;
	[tilespmem:s28+$0x10] =	vst v44  }
0x82: {  	v34 =	vcvt.f32.s32 v42;
	v35 =	vcvt.f32.s32 v46;
	v32 =	vshll.u32 v33, $0xA;
	v25 =	vmovc v39;
	[tilespmem:s28+$0x20] =	vst v41;
	s28 =	smov.u32 s23  }
0x83: {  	s14 =	sadd.s32 $0x100, s14;
	v36 =	vshll.u32 v40, $0xA;
	v37 =	vshll.u32 v37, $0xA;
	v33 =	vmul.f32 v43, v45  }
0x84: {  	v29 =	vor.u32 v0, v29  }
0x85: {  	v32 =	vor.u32 v0, v32  }
0x86: {  	v37 =	vor.u32 v0, v37  }
0x87: {  	v36 =	vor.u32 v0, v36;
	_ =	sdelay $0x1  }
0x88: {  	v38 =	vld.idx.msk [tilespmem:v29+s4+$0x0], $0xffff  }
0x89: {  	v39 =	vld.idx.msk [tilespmem:v32+s19+$0x0], $0xffff  }
0x8a: {  	v28 =	vshll.u32 v28, $0xA;
	v35 =	vshll.u32 v35, $0xA;
	v40 =	vld.idx.msk [tilespmem:v37+s10+$0x0], $0xffff  }
0x8b: {  	v34 =	vshll.u32 v34, $0xA;
	v7 =	vmul.f32 v7, v8;
	v28 =	vor.u32 v0, v28;
	v50 =	vld.idx.msk [tilespmem:v36+s13+$0x0], $0xffff  }
0x8c: {  	v6 =	vmul.f32 v6, v9;
	v35 =	vor.u32 v0, v35;
	v31 =	vadd.f32 v33, v31;
	v54 =	vld.idx.msk [tilespmem:v29+s24+$0x0], $0xffff  }
0x8d: {  	v5 =	vmul.f32 v5, v14;
	s30 =	sadd.s32 $0x100, s23;
	v34 =	vor.u32 v0, v34;
	v7 =	vadd.f32 v7, v26;
	v55 =	vld.idx.msk [tilespmem:v32+s1+$0x0], $0xffff  }
0x8e: {  	v1 =	vmul.f32 v1, v10;
	v6 =	vadd.f32 v6, v27;
	[tilespmem:s30+$0x30] =	vst v31;
	v56 =	vld.idx.msk [tilespmem:v37+s0+$0x0], $0xffff  }
0x8f: {  	v2 =	vmul.f32 v2, v12;
	v5 =	vadd.f32 v5, v21;
	[tilespmem:s28+$0xFFFFFFC0] =	vst v7;
	v57 =	vld.idx.msk [tilespmem:v36+s3+$0x0], $0xffff  }
0x90: {  	v3 =	vmul.f32 v3, v13;
	v1 =	vadd.f32 v1, v24;
	[tilespmem:s28+$0xFFFFFFD0] =	vst v6;
	v51 =	vld.idx.msk [tilespmem:v28+s18+$0x0], $0xffff  }
0x91: {  	v4 =	vmul.f32 v4, v11;
	v2 =	vadd.f32 v2, v25;
	[tilespmem:s28+$0xFFFFFFE0] =	vst v5;
	v52 =	vld.idx.msk [tilespmem:v35+s12+$0x0], $0xffff  }
0x92: {  	[tilespmem:s28+$0xFFFFFFF0] =	vst v1;
	v1 =	vadd.f32 v3, v30;
	v53 =	vld.idx.msk [tilespmem:v34+s2+$0x0], $0xffff;
	v3 =	vmul.f32 v20, v38  }
0x93: {  	[tilespmem:s28+$0x0] =	vst v2;
	v2 =	vadd.f32 v4, v16;
	v58 =	vld.idx.msk [tilespmem:v28+s31+$0x0], $0xffff;
	v59 =	vmul.f32 v23, v39  }
0x94: {  	v60 =	vld.idx.msk [tilespmem:v35+s29+$0x0], $0xffff;
	[tilespmem:s28+$0x10] =	vst v1;
	v1 =	vmul.f32 v22, v40;
	v3 =	vadd.f32 v3, v54  }
0x95: {  	v61 =	vld.idx.msk [tilespmem:v34+s25+$0x0], $0xffff;
	[tilespmem:s28+$0x20] =	vst v2;
	v2 =	vmul.f32 v17, v50;
	v4 =	vadd.f32 v59, v55  }
0x96: {  	v62 =	vmul.f32 v19, v51;
	v1 =	vadd.f32 v1, v56;
	[tilespmem:s30+$0xFFFFFFC0] =	vst v3  }
0x97: {  	v2 =	vadd.f32 v2, v57;
	v3 =	vmul.f32 v18, v52;
	[tilespmem:s30+$0xFFFFFFD0] =	vst v4  }
0x98: {  	v63 =	vmul.f32 v15, v53;
	[tilespmem:s30+$0xFFFFFFE0] =	vst v1;
	v1 =	vadd.f32 v62, v58  }
0x99: {  	[tilespmem:s30+$0xFFFFFFF0] =	vst v2;
	v2 =	vadd.f32 v3, v60  }
0x9a: {  	s22 =	sshrl.u32 s22, $0x3;
	[tilespmem:s30+$0x0] =	vst v1;
	v1 =	vadd.f32 v63, v61  }
0x9b: {  	s0 =	sadd.s32 s5, s22;
	s1 =	simm.s32 $0x10000;
	[tilespmem:s30+$0x10] =	vst v2  }
0x9c: {  	s3 =	simm.s32 $0x10100;
	s2 =	simm.s32 $0x10;
	s4 =	sadd.s32 $0x0, s0;
	[tilespmem:s30+$0x20] =	vst v1  }
.LBB2_9:
0x9d: {  	[hbm4b:s4+s6] =	stream.linear.scatter [tilespmem:s1], [sflag:$0x3], $0x80, $0x38;
	[tilespmem:$0x18000] =	vst v63  }
0x9e: {  	s4 =	smov.u32 s2;
	s1 =	smov.u32 s3;
	p1 =	sne.s32 s2, $0x7F0  }
.Ltmp5:
0x9f: {  	s2 =	sadd.s32 $0x10, s2;
	(pc) =	sbr.rel @p1 .LBB2_9-.Ltmp5, $2  }
0xa0: {  	_ =	sdelay $0x2  }
0xa1: {  	s3 =	sadd.s32 $0x100, s3;
	s4 =	sadd.s32 s4, s0  }
0xa2: {  	p1 =	sne.s32 s20, $0x1F  }
.Ltmp6:
0xa3: {  	_ = 	snop;
	(pc) =	sbr.rel @p1 .LBB2_12-.Ltmp6, $2  }
0xa4: {  	_ =	sdelay $0x2  }
0xa5: {  	[hbm4b:s4+s6] =	stream.linear.scatter [tilespmem:s1], [sflag:$0x3], $0x80, $0x38;
	[tilespmem:$0x18000] =	vst v63  }
.Ltmp7:
0xa6: {  	(pc) =	sbr.rel .LBB2_15-.Ltmp7, $4  }
0xa7: {  	_ = 	snop  }
0xa8: {  	_ =	swait.ge [sflag:s16], $0x4000  }
0xa9: {  	[sflag:s16] =	ssyncset.done $0x0  }
0xaa: {  	[sflag:s16] =	ssyncadd.s32 $0xFFFFC000  }
.LBB2_12:
0xab: {  	s0 =	rddreg [dreg:$0x5]  }
0xac: {  	s0 =	sadd.s32 s21, s0  }
0xad: {  	s1 =	rddreg [dreg:$0x2];
	s0 =	sshrl.u32 s0, $0x3  }
0xae: {  	s2 =	simm.s32 $0x10;
	s0 =	sadd.s32 s1, s0  }
0xaf: {  	s3 =	simm.s32 $0x8100;
	s1 =	simm.s32 $0x8000;
	s4 =	sadd.s32 $0x0, s0  }
.LBB2_13:
0xb0: {  	[tilespmem:s1], [sflag:$0x1] =	stream.linear.gather [hbm4b:s4+s6], $0x80, $0x38;
	[tilespmem:$0x18000] =	vst v63  }
0xb1: {  	s4 =	smov.u32 s2;
	s1 =	smov.u32 s3;
	p1 =	sne.s32 s2, $0x7F0  }
.Ltmp8:
0xb2: {  	s2 =	sadd.s32 $0x10, s2;
	(pc) =	sbr.rel @p1 .LBB2_13-.Ltmp8, $2  }
0xb3: {  	_ =	sdelay $0x2  }
0xb4: {  	s3 =	sadd.s32 $0x100, s3;
	s4 =	sadd.s32 s4, s0  }
.Ltmp9:
0xb5: {  	(pc) =	sbr.rel @p0 .LBB2_16-.Ltmp9, $4  }
0xb6: {  	[tilespmem:s1], [sflag:$0x1] =	stream.linear.gather [hbm4b:s4+s6], $0x80, $0x38;
	[tilespmem:$0x18000] =	vst v63  }
0xb7: {  	_ =	swait.ge [sflag:s16], $0x4000  }
0xb8: {  	[sflag:s16] =	ssyncset.done $0x0  }
0xb9: {  	[sflag:s16] =	ssyncadd.s32 $0xFFFFC000  }
.LBB2_15:
0xba: {  	_ =	swait.ge [sflag:s17], $0x4000  }
0xbb: {  	[sflag:s17] =	ssyncset.done $0x0  }
0xbc: {  	[sflag:s17] =	ssyncadd.s32 $0xFFFFC000  }
.LBB2_16:
0xbd: {  	s0 =	simm.s32 $0x80F0  }
0xbe: {  	v1 =	vld [tilespmem:s0+$0x0]  }
0xbf: {  	v2 =	vld [tilespmem:s0+$0xFFFFFF90]  }
0xc0: {  	v3 =	vld [tilespmem:s0+$0xFFFFFFA0]  }
0xc1: {  	v4 =	vld [tilespmem:s0+$0xFFFFFFB0]  }
0xc2: {  	v5 =	vld [tilespmem:s0+$0xFFFFFFC0]  }
0xc3: {  	v6 =	vld [tilespmem:s0+$0xFFFFFFD0]  }
0xc4: {  	v7 =	vld [tilespmem:s0+$0xFFFFFFE0]  }
0xc5: {  	v8 =	vld [tilespmem:s0+$0xFFFFFFF0]  }
0xc6: {  	v1 =	vmul.f32 $2.142857070e+00, v1  }
0xc7: {  	v2 =	vmul.f32 $2.142857070e+00, v2;
	v3 =	vmul.f32 $2.142857070e+00, v3  }
0xc8: {  	v4 =	vmul.f32 $2.142857070e+00, v4;
	v5 =	vmul.f32 $2.142857070e+00, v5  }
0xc9: {  	v6 =	vmul.f32 $2.142857070e+00, v6;
	v7 =	vmul.f32 $2.142857070e+00, v7;
	v1 =	vadd.f32 $7.500000000e+00, v1  }
0xca: {  	v8 =	vmul.f32 $2.142857070e+00, v8;
	v2 =	vadd.f32 $7.500000000e+00, v2;
	v3 =	vadd.f32 $7.500000000e+00, v3  }
0xcb: {  	v6 =	vadd.f32 $7.500000000e+00, v6;
	v10 =	vadd.f32 $7.500000000e+00, v7;
	v1 =	vmax.f32 v1, $0.0e+00  }
0xcc: {  	v8 =	vadd.f32 $7.500000000e+00, v8;
	v2 =	vmax.f32 v2, $0.0e+00;
	v9 =	vmin.f32 v1, $1.500000000e+01  }
0xcd: {  	v1 =	vadd.f32 $7.500000000e+00, v4;
	v4 =	vadd.f32 $7.500000000e+00, v5;
	v5 =	vtrunc.f32 v9  }
0xce: {  	v3 =	vmax.f32 v3, $0.0e+00;
	v12 =	vmax.f32 v6, $0.0e+00;
	v5 =	vcvt.f32.s32 v5  }
0xcf: {  	v10 =	vmax.f32 v10, $0.0e+00;
	v8 =	vmax.f32 v8, $0.0e+00;
	v7 =	vmin.f32 v2, $1.500000000e+01  }
0xd0: {  	s19 =	simm.s32 $0x81F0;
	v6 =	vmin.f32 v3, $1.500000000e+01;
	v2 =	vmin.f32 v12, $1.500000000e+01;
	v5 =	vshll.u32 v5, $0xA  }
0xd1: {  	v18 =	vld [tilespmem:s19+$0x0];
	v3 =	vmin.f32 v10, $1.500000000e+01;
	v13 =	vtrunc.f32 v6;
	v11 =	vor.u32 v0, v5  }
0xd2: {  	v15 =	vtrunc.f32 v2;
	v1 =	vmax.f32 v1, $0.0e+00;
	v4 =	vmax.f32 v4, $0.0e+00  }
0xd3: {  	s18 =	simm.s32 $0x0;
	v13 =	vcvt.f32.s32 v13;
	v15 =	vcvt.f32.s32 v15;
	v5 =	vmin.f32 v1, $1.500000000e+01  }
0xd4: {  	s0 =	sand.u32 $0x380, s18;
	v1 =	vmin.f32 v4, $1.500000000e+01;
	v4 =	vtrunc.f32 v7;
	v12 =	vtrunc.f32 v5  }
0xd5: {  	v19 =	vld [tilespmem:s19+$0xFFFFFF90];
	s1 =	sor.u32 $0x4070, s0;
	v13 =	vshll.u32 v13, $0xA;
	v14 =	vtrunc.f32 v1;
	v12 =	vcvt.f32.s32 v12  }
0xd6: {  	v21 =	vor.u32 v0, v13;
	v13 =	vmul.f32 $2.142857070e+00, v18;
	v14 =	vcvt.f32.s32 v14;
	v10 =	vld.idx.msk [tilespmem:v11+s1+$0x0], $0xffff  }
0xd7: {  	v20 =	vld [tilespmem:s19+$0xFFFFFFA0];
	v16 =	vcvt.f32.s32 v4;
	v4 =	vmin.f32 v8, $1.500000000e+01;
	v12 =	vshll.u32 v12, $0xA  }
0xd8: {  	v17 =	vtrunc.f32 v4;
	v14 =	vshll.u32 v14, $0xA;
	v24 =	vor.u32 v0, v12;
	v12 =	vld [tilespmem:s19+$0xFFFFFFD0]  }
0xd9: {  	v8 =	vtrunc.f32 v3;
	v17 =	vcvt.f32.s32 v17;
	v28 =	vor.u32 v0, v14;
	v14 =	vld [tilespmem:s19+$0xFFFFFFE0]  }
0xda: {  	v18 =	vld [tilespmem:s19+$0xFFFFFFF0];
	v8 =	vcvt.f32.s32 v8;
	v13 =	vadd.f32 $7.500000000e+00, v13;
	v16 =	vshll.u32 v16, $0xA  }
0xdb: {  	v25 =	vmul.f32 v9, v10;
	v9 =	vshll.u32 v15, $0xA;
	v15 =	vshll.u32 v17, $0xA;
	v17 =	vld [tilespmem:s19+$0xFFFFFFC0]  }
0xdc: {  	v8 =	vshll.u32 v8, $0xA;
	v16 =	vor.u32 v0, v16;
	v10 =	vld [tilespmem:s19+$0xFFFFFFB0]  }
0xdd: {  	v13 =	vmax.f32 v13, $0.0e+00;
	v30 =	vor.u32 v0, v8;
	v8 =	vmul.f32 $2.142857070e+00, v20  }
0xde: {  	s23 =	sor.u32 $0x70, s0;
	v38 =	vmin.f32 v13, $1.500000000e+01;
	v12 =	vmul.f32 $2.142857070e+00, v12;
	v13 =	vmul.f32 $2.142857070e+00, v14  }
0xdf: {  	v31 =	vld.idx.msk [tilespmem:v11+s23+$0x0], $0xffff;
	v29 =	vor.u32 v0, v9;
	v9 =	vmul.f32 $2.142857070e+00, v19;
	v33 =	vor.u32 v0, v15  }
0xe0: {  	s12 =	sor.u32 $0x10, s0;
	v20 =	vadd.f32 $7.500000000e+00, v12;
	v12 =	vmul.f32 $2.142857070e+00, v18;
	v11 =	vmul.f32 $2.142857070e+00, v17  }
0xe1: {  	s25 =	sor.u32 $0x4020, s0;
	v27 =	vld.idx.msk [tilespmem:v21+s12+$0x0], $0xffff;
	v23 =	vadd.f32 $7.500000000e+00, v13;
	v15 =	vadd.f32 $7.500000000e+00, v9;
	v9 =	vmul.f32 $2.142857070e+00, v10  }
0xe2: {  	s4 =	sor.u32 $0x4050, s0;
	v14 =	vld.idx.msk [tilespmem:v24+s25+$0x0], $0xffff;
	v26 =	vadd.f32 $7.500000000e+00, v12;
	v19 =	vadd.f32 $7.500000000e+00, v11;
	v11 =	vtrunc.f32 v38  }
0xe3: {  	s14 =	sor.u32 $0x50, s0;
	v12 =	vld.idx.msk [tilespmem:v30+s4+$0x0], $0xffff;
	v10 =	vadd.f32 $7.500000000e+00, v8;
	v17 =	vadd.f32 $7.500000000e+00, v9;
	v18 =	vcvt.f32.s32 v11  }
0xe4: {  	s2 =	sor.u32 $0x4000, s0;
	v42 =	vadd.f32 v25, v31;
	v30 =	vld.idx.msk [tilespmem:v30+s14+$0x0], $0xffff;
	v15 =	vmax.f32 v15, $0.0e+00;
	v34 =	vmax.f32 v26, $0.0e+00  }
0xe5: {  	s3 =	sor.u32 $0x4040, s0;
	v8 =	vld.idx.msk [tilespmem:v16+s2+$0x0], $0xffff;
	v22 =	vmax.f32 v10, $0.0e+00;
	v17 =	vmax.f32 v17, $0.0e+00;
	v10 =	vshll.u32 v18, $0xA  }
0xe6: {  	v13 =	vld.idx.msk [tilespmem:v29+s3+$0x0], $0xffff;
	v18 =	vmax.f32 v19, $0.0e+00;
	v19 =	vmax.f32 v20, $0.0e+00;
	v32 =	vor.u32 v0, v10  }
0xe7: {  	s26 =	sor.u32 $0x4030, s0;
	v26 =	vld.idx.msk [tilespmem:v16+s0+$0x0], $0xffff;
	v20 =	vmin.f32 v15, $1.500000000e+01;
	v15 =	vmax.f32 v23, $0.0e+00;
	v23 =	vmin.f32 v22, $1.500000000e+01  }
0xe8: {  	s30 =	simm.s32 $0x8;
	s24 =	sor.u32 $0x4010, s0;
	v11 =	vld.idx.msk [tilespmem:v28+s26+$0x0], $0xffff;
	s26 =	simm.s32 $0x80;
	v22 =	vmin.f32 v17, $1.500000000e+01;
	v17 =	vmin.f32 v18, $1.500000000e+01;
	v16 =	vtrunc.f32 v20  }
0xe9: {  	s10 =	sor.u32 $0x4060, s0;
	s18 =	sor.u32 $0x40, s0;
	v9 =	vld.idx.msk [tilespmem:v21+s24+$0x0], $0xffff;
	s24 =	sand.u32 $0x380, s26;
	v19 =	vmin.f32 v19, $1.500000000e+01;
	v35 =	vtrunc.f32 v23;
	v36 =	vtrunc.f32 v22  }
0xea: {  	s13 =	sor.u32 $0x20, s0;
	s28 =	sor.u32 $0x60, s0;
	v25 =	vld.idx.msk [tilespmem:v29+s18+$0x0], $0xffff;
	s25 =	sor.u32 $0x4070, s24;
	v18 =	vmin.f32 v15, $1.500000000e+01;
	v37 =	vtrunc.f32 v17;
	v63 =	vtrunc.f32 v19  }
0xeb: {  	s23 =	simm.s32 $0x100F0;
	s14 =	simm.s32 $0x82F0;
	s3 =	sor.u32 $0x30, s0;
	v15 =	vmin.f32 v34, $1.500000000e+01;
	v40 =	vtrunc.f32 v18;
	v16 =	vcvt.f32.s32 v16;
	v39 =	vld.idx.msk [tilespmem:v32+s25+$0x0], $0xffff  }
0xec: {  	v21 =	vld.idx.msk [tilespmem:v24+s13+$0x0], $0xffff;
	s4 =	sor.u32 $0x4000, s24;
	s19 =	sor.u32 $0x4010, s24;
	v41 =	vtrunc.f32 v15;
	v35 =	vcvt.f32.s32 v35;
	s25 =	sor.u32 $0x70, s24  }
0xed: {  	s13 =	sor.u32 $0x4030, s24;
	s18 =	sor.u32 $0x4040, s24;
	s12 =	sor.u32 $0x4050, s24;
	v36 =	vcvt.f32.s32 v36;
	v43 =	vcvt.f32.s32 v37;
	v31 =	vld.idx.msk [tilespmem:v32+s25+$0x0], $0xffff  }
0xee: {  	v24 =	vld.idx.msk [tilespmem:v28+s3+$0x0], $0xffff;
	s2 =	sor.u32 $0x4060, s24;
	s1 =	sor.u32 $0x10, s24;
	s0 =	sor.u32 $0x20, s24;
	v28 =	vcvt.f32.s32 v63;
	v34 =	vcvt.f32.s32 v41  }
0xef: {  	s3 =	sor.u32 $0x30, s24;
	s31 =	sor.u32 $0x40, s24;
	s29 =	sor.u32 $0x50, s24;
	v10 =	vld.idx.msk [tilespmem:v33+s10+$0x0], $0xffff;
	v29 =	vshll.u32 v16, $0xA;
	v32 =	vshll.u32 v35, $0xA;
	v35 =	vcvt.f32.s32 v40  }
0xf0: {  	[tilespmem:s23+$0x0] =	vst v42;
	s10 =	sor.u32 $0x4020, s24;
	v16 =	vld.idx.msk [tilespmem:v33+s28+$0x0], $0xffff;
	v37 =	vshll.u32 v36, $0xA;
	s28 =	simm.s32 $0x100F0;
	v36 =	vshll.u32 v43, $0xA;
	s25 =	sor.u32 $0x60, s24;
	v33 =	vmul.f32 v38, v39  }
.LBB2_17:
0xf1: {  	v38 =	vld [tilespmem:s14+$0x0];
	s30 =	sadd.s32 $0x8, s30;
	v39 =	vshll.u32 v28, $0xA;
	v35 =	vshll.u32 v35, $0xA;
	v34 =	vshll.u32 v34, $0xA;
	v28 =	vmovc v30  }
0xf2: {  	v40 =	vor.u32 v0, v29;
	v32 =	vor.u32 v0, v32;
	v30 =	vld [tilespmem:s14+$0xFFFFFF90];
	p0 =	slt.u32 s30, $0x3F8;
	v31 =	vadd.f32 v33, v31  }
0xf3: {  	v37 =	vor.u32 v0, v37;
	v36 =	vor.u32 v0, v36;
	s23 =	sadd.s32 $0x100, s23;
	v39 =	vor.u32 v0, v39;
	v33 =	vld [tilespmem:s14+$0xFFFFFFA0]  }
0xf4: {  	v8 =	vmul.f32 v7, v8;
	v35 =	vor.u32 v0, v35;
	v29 =	vor.u32 v0, v34;
	v41 =	vld [tilespmem:s14+$0xFFFFFFB0];
	[tilespmem:s23+$0x0] =	vst v31  }
0xf5: {  	v9 =	vmul.f32 v6, v9;
	v7 =	vmovc v20;
	v6 =	vmovc v23;
	v34 =	vmul.f32 v5, v14;
	v5 =	vmov v22;
	v31 =	vld [tilespmem:s14+$0xFFFFFFC0]  }
0xf6: {  	v8 =	vadd.f32 v8, v26;
	v14 =	vld [tilespmem:s14+$0xFFFFFFD0];
	v20 =	vmul.f32 $2.142857070e+00, v38;
	v38 =	vmul.f32 v1, v11;
	v1 =	vmovc v17  }
0xf7: {  	v42 =	vmul.f32 v2, v13;
	v2 =	vmovc v19;
	v9 =	vadd.f32 v9, v27;
	v11 =	vmul.f32 $2.142857070e+00, v30;
	v17 =	vld [tilespmem:s14+$0xFFFFFFE0]  }
0xf8: {  	v13 =	vmul.f32 $2.142857070e+00, v33;
	v19 =	vld [tilespmem:s14+$0xFFFFFFF0];
	v20 =	vadd.f32 $7.500000000e+00, v20;
	[tilespmem:s28+$0xFFFFFF90] =	vst v8;
	v33 =	vmul.f32 v3, v12;
	v3 =	vmovc v18  }
0xf9: {  	v12 =	vadd.f32 $7.500000000e+00, v11;
	v11 =	vmul.f32 $2.142857070e+00, v41;
	v8 =	vld.idx.msk [tilespmem:v40+s4+$0x0], $0xffff;
	[tilespmem:s28+$0xFFFFFFA0] =	vst v9;
	v41 =	vmul.f32 v4, v10;
	v4 =	vmovc v15  }
0xfa: {  	v10 =	vadd.f32 $7.500000000e+00, v13;
	v13 =	vmul.f32 $2.142857070e+00, v31;
	v15 =	vmax.f32 v20, $0.0e+00;
	v9 =	vld.idx.msk [tilespmem:v32+s19+$0x0], $0xffff  }
0xfb: {  	v18 =	vadd.f32 $7.500000000e+00, v11;
	v20 =	vmul.f32 $2.142857070e+00, v14;
	v43 =	vmin.f32 v15, $1.500000000e+01;
	v14 =	vld.idx.msk [tilespmem:v37+s10+$0x0], $0xffff  }
0xfc: {  	v15 =	vadd.f32 $7.500000000e+00, v13;
	v17 =	vmul.f32 $2.142857070e+00, v17;
	v13 =	vtrunc.f32 v43;
	v11 =	vld.idx.msk [tilespmem:v36+s13+$0x0], $0xffff  }
0xfd: {  	v20 =	vadd.f32 $7.500000000e+00, v20;
	v19 =	vmul.f32 $2.142857070e+00, v19;
	v22 =	vcvt.f32.s32 v13;
	v13 =	vld.idx.msk [tilespmem:v39+s18+$0x0], $0xffff  }
0xfe: {  	v23 =	vmax.f32 v12, $0.0e+00;
	v30 =	vmax.f32 v10, $0.0e+00;
	v17 =	vadd.f32 $7.500000000e+00, v17;
	v12 =	vld.idx.msk [tilespmem:v35+s12+$0x0], $0xffff  }
0xff: {  	v18 =	vmax.f32 v18, $0.0e+00;
	v19 =	vadd.f32 $7.500000000e+00, v19;
	v22 =	vshll.u32 v22, $0xA;
	v10 =	vld.idx.msk [tilespmem:v29+s2+$0x0], $0xffff  }
0x100: {  	v15 =	vmax.f32 v15, $0.0e+00;
	v31 =	vmax.f32 v20, $0.0e+00;
	v44 =	vor.u32 v0, v22;
	v26 =	vld.idx.msk [tilespmem:v40+s24+$0x0], $0xffff  }
0x101: {  	s26 =	sadd.s32 $0x80, s26;
	v20 =	vmin.f32 v23, $1.500000000e+01;
	v40 =	vmax.f32 v17, $0.0e+00;
	v45 =	vmax.f32 v19, $0.0e+00;
	v27 =	vld.idx.msk [tilespmem:v32+s1+$0x0], $0xffff  }
0x102: {  	v23 =	vmin.f32 v30, $1.500000000e+01;
	v22 =	vmin.f32 v18, $1.500000000e+01;
	v17 =	vmin.f32 v15, $1.500000000e+01;
	s24 =	sand.u32 $0x380, s26;
	v32 =	vld.idx.msk [tilespmem:v37+s0+$0x0], $0xffff  }
0x103: {  	v19 =	vmin.f32 v31, $1.500000000e+01;
	v18 =	vmin.f32 v40, $1.500000000e+01;
	s4 =	sor.u32 $0x4000, s24;
	v15 =	vmin.f32 v45, $1.500000000e+01;
	v36 =	vld.idx.msk [tilespmem:v36+s3+$0x0], $0xffff  }
0x104: {  	v21 =	vadd.f32 v34, v21;
	v31 =	vtrunc.f32 v20;
	s19 =	sor.u32 $0x4010, s24;
	s10 =	sor.u32 $0x4020, s24;
	v37 =	vtrunc.f32 v23;
	s0 =	sor.u32 $0x4070, s24;
	v39 =	vld.idx.msk [tilespmem:v39+s31+$0x0], $0xffff  }
0x105: {  	v24 =	vadd.f32 v38, v24;
	v34 =	vtrunc.f32 v22;
	v40 =	vtrunc.f32 v17;
	s13 =	sor.u32 $0x4030, s24;
	s18 =	sor.u32 $0x4040, s24;
	s12 =	sor.u32 $0x4050, s24;
	v45 =	vld.idx.msk [tilespmem:v44+s0+$0x0], $0xffff  }
0x106: {  	s2 =	sor.u32 $0x4060, s24;
	s1 =	sor.u32 $0x10, s24;
	v38 =	vtrunc.f32 v19;
	v46 =	vtrunc.f32 v18;
	s31 =	sor.u32 $0x70, s24;
	v30 =	vld.idx.msk [tilespmem:v35+s29+$0x0], $0xffff;
	[tilespmem:s28+$0xFFFFFFB0] =	vst v21;
	v35 =	vadd.f32 v42, v25  }
.Ltmp10:
0x107: {  	v47 =	vcvt.f32.s32 v31;
	s3 =	sor.u32 $0x30, s24;
	s0 =	sor.u32 $0x20, s24;
	v42 =	vtrunc.f32 v15;
	v31 =	vld.idx.msk [tilespmem:v44+s31+$0x0], $0xffff;
	[tilespmem:s28+$0xFFFFFFC0] =	vst v24;
	v44 =	vadd.f32 v33, v28;
	(pc) =	sbr.rel @p0 .LBB2_17-.Ltmp10, $4  }
0x108: {  	v41 =	vadd.f32 v41, v16;
	s29 =	sor.u32 $0x50, s24;
	v33 =	vcvt.f32.s32 v37;
	v37 =	vcvt.f32.s32 v34;
	s31 =	sor.u32 $0x40, s24;
	v21 =	vmovc v32;
	[tilespmem:s28+$0xFFFFFFD0] =	vst v35;
	v16 =	vld.idx.msk [tilespmem:v29+s25+$0x0], $0xffff;
	s25 =	sor.u32 $0x60, s24  }
0x109: {  	v40 =	vcvt.f32.s32 v40;
	v28 =	vcvt.f32.s32 v38;
	v29 =	vshll.u32 v47, $0xA;
	v24 =	vmovc v36;
	[tilespmem:s28+$0xFFFFFFE0] =	vst v44  }
0x10a: {  	v34 =	vcvt.f32.s32 v42;
	v35 =	vcvt.f32.s32 v46;
	v32 =	vshll.u32 v33, $0xA;
	v25 =	vmovc v39;
	[tilespmem:s28+$0xFFFFFFF0] =	vst v41;
	s28 =	smov.u32 s23  }
0x10b: {  	s14 =	sadd.s32 $0x100, s14;
	v36 =	vshll.u32 v40, $0xA;
	v37 =	vshll.u32 v37, $0xA;
	v33 =	vmul.f32 v43, v45  }
0x10c: {  	v29 =	vor.u32 v0, v29  }
0x10d: {  	v32 =	vor.u32 v0, v32  }
0x10e: {  	v37 =	vor.u32 v0, v37  }
0x10f: {  	v36 =	vor.u32 v0, v36;
	_ =	sdelay $0x1  }
0x110: {  	v38 =	vld.idx.msk [tilespmem:v29+s4+$0x0], $0xffff  }
0x111: {  	v39 =	vld.idx.msk [tilespmem:v32+s19+$0x0], $0xffff  }
0x112: {  	v28 =	vshll.u32 v28, $0xA;
	v35 =	vshll.u32 v35, $0xA;
	v40 =	vld.idx.msk [tilespmem:v37+s10+$0x0], $0xffff  }
0x113: {  	v34 =	vshll.u32 v34, $0xA;
	v7 =	vmul.f32 v7, v8;
	v28 =	vor.u32 v0, v28;
	v50 =	vld.idx.msk [tilespmem:v36+s13+$0x0], $0xffff  }
0x114: {  	v6 =	vmul.f32 v6, v9;
	v35 =	vor.u32 v0, v35;
	v31 =	vadd.f32 v33, v31;
	v54 =	vld.idx.msk [tilespmem:v29+s24+$0x0], $0xffff  }
0x115: {  	v5 =	vmul.f32 v5, v14;
	s30 =	sadd.s32 $0x100, s23;
	v34 =	vor.u32 v0, v34;
	v7 =	vadd.f32 v7, v26;
	v55 =	vld.idx.msk [tilespmem:v32+s1+$0x0], $0xffff  }
0x116: {  	v1 =	vmul.f32 v1, v11;
	v6 =	vadd.f32 v6, v27;
	[tilespmem:s30+$0x0] =	vst v31;
	v56 =	vld.idx.msk [tilespmem:v37+s0+$0x0], $0xffff  }
0x117: {  	v2 =	vmul.f32 v2, v13;
	v5 =	vadd.f32 v5, v21;
	[tilespmem:s28+$0xFFFFFF90] =	vst v7;
	v57 =	vld.idx.msk [tilespmem:v36+s3+$0x0], $0xffff  }
0x118: {  	v3 =	vmul.f32 v3, v12;
	v1 =	vadd.f32 v1, v24;
	[tilespmem:s28+$0xFFFFFFA0] =	vst v6;
	v51 =	vld.idx.msk [tilespmem:v28+s18+$0x0], $0xffff  }
0x119: {  	v4 =	vmul.f32 v4, v10;
	v2 =	vadd.f32 v2, v25;
	[tilespmem:s28+$0xFFFFFFB0] =	vst v5;
	v52 =	vld.idx.msk [tilespmem:v35+s12+$0x0], $0xffff  }
0x11a: {  	[tilespmem:s28+$0xFFFFFFC0] =	vst v1;
	v1 =	vadd.f32 v3, v30;
	v53 =	vld.idx.msk [tilespmem:v34+s2+$0x0], $0xffff;
	v3 =	vmul.f32 v20, v38  }
0x11b: {  	[tilespmem:s28+$0xFFFFFFD0] =	vst v2;
	v2 =	vadd.f32 v4, v16;
	v58 =	vld.idx.msk [tilespmem:v28+s31+$0x0], $0xffff;
	v59 =	vmul.f32 v23, v39  }
0x11c: {  	v60 =	vld.idx.msk [tilespmem:v35+s29+$0x0], $0xffff;
	[tilespmem:s28+$0xFFFFFFE0] =	vst v1;
	v1 =	vmul.f32 v22, v40;
	v3 =	vadd.f32 v3, v54  }
0x11d: {  	v61 =	vld.idx.msk [tilespmem:v34+s25+$0x0], $0xffff;
	[tilespmem:s28+$0xFFFFFFF0] =	vst v2;
	v2 =	vmul.f32 v17, v50;
	v4 =	vadd.f32 v59, v55  }
0x11e: {  	v62 =	vmul.f32 v19, v51;
	v1 =	vadd.f32 v1, v56;
	[tilespmem:s30+$0xFFFFFF90] =	vst v3  }
0x11f: {  	v2 =	vadd.f32 v2, v57;
	v3 =	vmul.f32 v18, v52;
	[tilespmem:s30+$0xFFFFFFA0] =	vst v4  }
0x120: {  	v63 =	vmul.f32 v15, v53;
	[tilespmem:s30+$0xFFFFFFB0] =	vst v1;
	v1 =	vadd.f32 v62, v58  }
0x121: {  	[tilespmem:s30+$0xFFFFFFC0] =	vst v2;
	v2 =	vadd.f32 v3, v60  }
0x122: {  	s31 =	sadd.s32 s22, s5;
	[tilespmem:s30+$0xFFFFFFD0] =	vst v1;
	v1 =	vadd.f32 v63, v61  }
0x123: {  	s1 =	simm.s32 $0x10080;
	s0 =	sadd.s32 $0x800, s31;
	[tilespmem:s30+$0xFFFFFFE0] =	vst v2  }
0x124: {  	s3 =	simm.s32 $0x10180;
	s2 =	simm.s32 $0x10;
	s4 =	sadd.s32 $0x0, s0;
	[tilespmem:s30+$0xFFFFFFF0] =	vst v1  }
.LBB2_19:
0x125: {  	[hbm4b:s4+s6] =	stream.linear.scatter [tilespmem:s1], [sflag:$0x4], $0x80, $0x38;
	[tilespmem:$0x18000] =	vst v63  }
0x126: {  	s4 =	smov.u32 s2;
	s1 =	smov.u32 s3;
	p0 =	sne.s32 s2, $0x7F0  }
.Ltmp11:
0x127: {  	s2 =	sadd.s32 $0x10, s2;
	(pc) =	sbr.rel @p0 .LBB2_19-.Ltmp11, $2  }
0x128: {  	_ =	sdelay $0x2  }
0x129: {  	s3 =	sadd.s32 $0x100, s3;
	s4 =	sadd.s32 s4, s0  }
0x12a: {  	p0 =	seq.s32 s20, $0x1F  }
.Ltmp12:
0x12b: {  	_ = 	snop;
	(pc) =	sbr.rel @p0 .LBB2_24-.Ltmp12, $2  }
0x12c: {  	_ =	sdelay $0x2  }
0x12d: {  	[hbm4b:s4+s6] =	stream.linear.scatter [tilespmem:s1], [sflag:$0x4], $0x80, $0x38;
	[tilespmem:$0x18000] =	vst v63  }
0x12e: {  	s0 =	sadd.s32 s21, s11  }
0x12f: {  	s1 =	rddreg [dreg:$0x2];
	s0 =	sshrl.u32 s0, $0x3  }
0x130: {  	s2 =	simm.s32 $0x10;
	s0 =	sadd.s32 s1, s0  }
0x131: {  	s3 =	simm.s32 $0x8180;
	s1 =	simm.s32 $0x8080;
	s4 =	sadd.s32 $0x0, s0  }
.LBB2_22:
0x132: {  	[tilespmem:s1], [sflag:$0x2] =	stream.linear.gather [hbm4b:s4+s6], $0x80, $0x38;
	[tilespmem:$0x18000] =	vst v63  }
0x133: {  	s4 =	smov.u32 s2;
	s1 =	smov.u32 s3;
	p0 =	sne.s32 s2, $0x7F0  }
.Ltmp13:
0x134: {  	s2 =	sadd.s32 $0x10, s2;
	(pc) =	sbr.rel @p0 .LBB2_22-.Ltmp13, $2  }
0x135: {  	_ =	sdelay $0x2  }
0x136: {  	s3 =	sadd.s32 $0x100, s3;
	s4 =	sadd.s32 s4, s0  }
.Ltmp14:
0x137: {  	(pc) =	sbr.rel .LBB2_6-.Ltmp14, $3  }
0x138: {  	_ =	sdelay $0x1  }
0x139: {  	[tilespmem:s1], [sflag:$0x2] =	stream.linear.gather [hbm4b:s4+s6], $0x80, $0x38;
	[tilespmem:$0x18000] =	vst v63  }
0x13a: {  	s20 =	sadd.s32 $0x1, s20  }
.LBB2_25:
0x13b: {  	_ =	sfence.sel $0x180000  }
0x13c: {  	[bflag:$0x0] =	sbarrier.arrive $0xFFFF  }
0x13d: {  	_ =	strace $0x90000047  }
0x13e: {  	s0 =	stileid.u32;
	[bflag:$0x2] =	sbarrier.arrive $0xFFFF  }
0x13f: {  	p0 =	sne.s32 s0, $0x0;
	s0 =	rddreg [dreg:$0x4]  }
0x140: {  	s0 =	sadd.s32 @!p0 $0x100000, s0  }
0x141: {  	[sflag:s0] =	ssyncadd.tile.s32 @!p0 $0x1;
	_ =	shalt  }
.Lfunc_end2:
_tile_overlayer_lowered:
.L_overlay_start_2:
0x142: {  	(tag) =	ssettag $0x2  }
0x143: {  	s0 =	rddreg [dreg:$0x0];
	s2 =	stileid.u32  }
0x144: {  	s1 =	rddreg [dreg:$0x1];
	p0 =	sne.s32 s2, $0x0  }
0x145: {  	s3 =	rddreg [dreg:$0x2];
	[bflag:$0x3] =	sbarrier.arrive $0xFFFF;
	s2 =	simm.s32 @!p0 $0x1C05  }
0x146: {  	[timem:s3], [sflag:s2] =	dma.local @!p0 [hbm:s0], s1  }
0x147: {  	s0 =	simm.s32 @!p0 $0x5  }
0x148: {  	_ =	swait.ge @!p0 [sflag:s0], s1  }
0x149: {  	s1 =	ssub.s32 @!p0 $0x0, s1;
	[sflag:s0] =	ssyncset.done @!p0 $0x0  }
0x14a: {  	[sflag:s0] =	ssyncadd.s32 @!p0 s1  }
0x14b: {  	[bflag:$0x3] =	sbarrier.arrive $0xFFFF  }
0x14c: {  	_ =	shalt  }

</sc_bundles>
